<compile_context>
chip_gen: v7x
topology: tpu7x:2x2x1
jax: 0.10.2.dev20260603
libtpu: 0.0.44.dev20260713+nightly
codegen_flags: <defaults>
</compile_context>

<pallas_src>
import functools

import jax
import jax.numpy as jnp
from jax import lax
from jax.experimental import pallas as pl
from jax.experimental.pallas import tpu as pltpu
from jax.experimental.pallas import tpu_sc as plsc

EMB = 64
SCALE = 8.0

NI = 4096
NJ = 200
NC = 2
NS = 16
NW = NC * NS
IPW = NI // NW
KI = 2
C = KI * NJ
NCHUNK = IPW // KI
GS = (128, 128, 128, 16)


def _emb_body(tok_hbm, tab_hbm, out_hbm,
              idx0, idx1, rows0, rows1, gsem0, gsem1, wsem0, wsem1):
    wid = lax.axis_index("s") * NC + lax.axis_index("c")
    i_w = wid * IPW
    idx = (idx0, idx1)
    rows = (rows0, rows1)
    gsem = (gsem0, gsem1)
    wsem = (wsem0, wsem1)

    def fire_gather(ci, b):
        i0 = i_w + ci * KI
        pltpu.sync_copy(tok_hbm.at[pl.ds(i0 * NJ, C)], idx[b])
        off = 0
        for g in GS:
            pltpu.async_copy(
                tab_hbm.at[idx[b].at[pl.ds(off, g)]],
                rows[b].at[pl.ds(off, g), :],
                gsem[b],
            )
            off += g

    def drain_gather(b):
        pltpu.make_async_copy(tab_hbm.at[pl.ds(0, C)], rows[b], gsem[b]).wait()

    def fire_write(ci, b):
        i0 = i_w + ci * KI
        for k in range(KI):
            pltpu.async_copy(
                rows[b].at[pl.ds(k * NJ, NJ)], out_hbm.at[i0 + k], wsem[b])

    def drain_write(b):
        for k in range(KI):
            pltpu.make_async_copy(
                rows[b].at[pl.ds(k * NJ, NJ)], out_hbm.at[0], wsem[b]).wait()

    def scale(b):
        rb = rows[b]

        @plsc.parallel_loop(0, C, unroll=4)
        def _(r):
            for c4 in range(EMB // 16):
                sl = pl.ds(c4 * 16, 16)
                rb[r, sl] = rb[r, sl] * SCALE

    fire_gather(0, 0)

    def outer(co, carry):
        for b in range(2):
            ci = co * 2 + b

            @pl.when(ci >= 1)
            def _():
                drain_write(1 - b)

            @pl.when(ci + 1 < NCHUNK)
            def _():
                fire_gather(ci + 1, 1 - b)

            drain_gather(b)
            scale(b)
            fire_write(ci, b)
        return carry

    lax.fori_loop(0, NCHUNK // 2, outer, 0)
    drain_write(1)


@functools.partial(
    pl.kernel,
    mesh=plsc.VectorSubcoreMesh(core_axis_name="c", subcore_axis_name="s"),
    out_type=jax.ShapeDtypeStruct((NI, NJ, EMB), jnp.float32),
    scratch_types=[
        pltpu.VMEM((C,), jnp.int32),
        pltpu.VMEM((C,), jnp.int32),
        pltpu.VMEM((C, EMB), jnp.float32),
        pltpu.VMEM((C, EMB), jnp.float32),
        pltpu.SemaphoreType.DMA,
        pltpu.SemaphoreType.DMA,
        pltpu.SemaphoreType.DMA,
        pltpu.SemaphoreType.DMA,
    ],
    compiler_params=pltpu.CompilerParams(use_tc_tiling_on_sc=False),
)
def _emb_kernel(tok_hbm, tab_hbm, out_hbm,
                idx0, idx1, rows0, rows1, gsem0, gsem1, wsem0, wsem1):
    _emb_body(tok_hbm, tab_hbm, out_hbm,
              idx0, idx1, rows0, rows1, gsem0, gsem1, wsem0, wsem1)


def kernel(tokens, table):
    tok_flat = tokens.reshape(-1).astype(jnp.int32)
    return _emb_kernel(tok_flat, table)

# --- scband reference (transcript-rebuilt; emitter-appended) ---
"""Pipeline reference for scband-token-embedding-22050362097915 (READ-ONLY COPY).

The authoritative reference and input builder live on the scoring server;
editing this copy changes nothing except your own understanding.
"""

import jax, jax.numpy as jnp
import numpy as np
import math

VOCAB = 1000000
EMB = 64

def setup_inputs(seed: int = 0) -> dict:
    key = jax.random.key(seed)
    k1, k2 = jax.random.split(key)
    tokens = jax.random.randint(k1, (4096, 200), 0, VOCAB, dtype=jnp.int64 if jax.config.jax_enable_x64 else jnp.int32)
    table = jax.random.normal(k2, (VOCAB, EMB), dtype=jnp.float32)
    return {"tokens": tokens, "table": table}

def reference(tokens, table):
    # nn.Embedding lookup followed by scaling by sqrt(emb_size)
    emb = jnp.take(table, tokens, axis=0)
    return emb * math.sqrt(EMB)

if __name__ == "__main__":
    import jax
    _d = setup_inputs()
    print(jax.jit(kernel)(*tuple(_d.values())))

</pallas_src>

<mosaic_0001>
#map = affine_map<(d0, d1) -> (0)>
#map1 = affine_map<(d0, d1) -> (0, 0)>
#map2 = affine_map<(d0, d1) -> (0, 0, 0)>
module attributes {stable_mosaic.version = 14 : i64} {
  func.func @_emb_kernel(%arg0: i32, %arg1: i32, %arg2: memref<819200xi32, #tpu.memory_space<hbm>>, %arg3: memref<1000000x64xf32, #tpu.memory_space<hbm>>, %arg4: memref<4096x200x64xf32, #tpu.memory_space<hbm>>, %arg5: memref<400xi32, #tpu.memory_space<vmem>>, %arg6: memref<400xi32, #tpu.memory_space<vmem>>, %arg7: memref<400x64xf32, #tpu.memory_space<vmem>>, %arg8: memref<400x64xf32, #tpu.memory_space<vmem>>, %arg9: memref<!tpu.dma_semaphore, #tpu.memory_space<semaphore_mem>>, %arg10: memref<!tpu.dma_semaphore, #tpu.memory_space<semaphore_mem>>, %arg11: memref<!tpu.dma_semaphore, #tpu.memory_space<semaphore_mem>>, %arg12: memref<!tpu.dma_semaphore, #tpu.memory_space<semaphore_mem>>) attributes {dimension_semantics = [#tpu.dimension_semantics<core_parallel>, #tpu.dimension_semantics<subcore_parallel>], iteration_bounds = array<i64: 2, 16>, scalar_prefetch = 0 : i64, scratch_operands = 8 : i64, tpu.core_type = #tpu.core_type<sc_vector_subcore>, window_params = [{transform_indices = #map}, {transform_indices = #map1}, {transform_indices = #map2}]} {
    %mul3A = arith.constant 2 : i32
    %mul3A_0 = arith.muli %arg1, %mul3A : i32
    %add3A = arith.addi %mul3A_0, %arg0 : i32
    %mul3A_1 = arith.constant 128 : i32
    %mul3A_2 = arith.muli %add3A, %mul3A_1 : i32
    %add3A_3 = arith.constant 0 : i32
    %add3A_4 = arith.addi %mul3A_2, %add3A_3 : i32
    %mul3A_5 = arith.constant 200 : i32
    %mul3A_6 = arith.muli %add3A_4, %mul3A_5 : i32
    "tpu.region"() ({
      %run_scoped3A = tpu.sem_alloc : memref<!tpu.dma_semaphore, #tpu.memory_space<semaphore_mem>>
      %dma_start3A_72 = tpu.memref_slice %arg2[%mul3A_6] : memref<819200xi32, #tpu.memory_space<hbm>> -> memref<400xi32, #tpu.memory_space<hbm>>
      %dma_start3A_73 = tpu.memref_slice %arg2[%mul3A_6] : memref<819200xi32, #tpu.memory_space<hbm>> -> memref<400xi32, #tpu.memory_space<hbm>>
      tpu.enqueue_dma source(%dma_start3A_73 : memref<400xi32, #tpu.memory_space<hbm>>) target(%arg5 : memref<400xi32, #tpu.memory_space<vmem>>) target_semaphore(%run_scoped3A : memref<!tpu.dma_semaphore, #tpu.memory_space<semaphore_mem>>)
      %dma_wait3A_74 = tpu.memref_slice %arg2[%mul3A_6] : memref<819200xi32, #tpu.memory_space<hbm>> -> memref<400xi32, #tpu.memory_space<hbm>>
      %dma_wait3A_75 = tpu.memref_slice %arg2[%mul3A_6] : memref<819200xi32, #tpu.memory_space<hbm>> -> memref<400xi32, #tpu.memory_space<hbm>>
      tpu.wait_dma2 semaphore(%run_scoped3A : memref<!tpu.dma_semaphore, #tpu.memory_space<semaphore_mem>>) src(%dma_wait3A_75 : memref<400xi32, #tpu.memory_space<hbm>>) dst(%arg5 : memref<400xi32, #tpu.memory_space<vmem>>)
      tpu.yield
    }) : () -> ()
    %dma_start3A = arith.constant 0 : i32
    %dma_start3A_7 = arith.constant 0 : i32
    %dma_start3A_8 = tpu.memref_slice %arg7[%dma_start3A, %dma_start3A_7] : memref<400x64xf32, #tpu.memory_space<vmem>> -> memref<128x64xf32, #tpu.memory_space<vmem>>
    %dma_start3A_9 = arith.constant 0 : i32
    %dma_start3A_10 = tpu.memref_slice %arg5[%dma_start3A_9] : memref<400xi32, #tpu.memory_space<vmem>> -> memref<128xi32, #tpu.memory_space<vmem>>
    %dma_start3A_11 = arith.constant 0 : i32
    %dma_start3A_12 = arith.constant 0 : i32
    %dma_start3A_13 = tpu.memref_slice %arg3[%dma_start3A_11, %dma_start3A_12] : memref<1000000x64xf32, #tpu.memory_space<hbm>> -> memref<1000000x64xf32, #tpu.memory_space<hbm>>
    tpu.enqueue_indirect_dma source(%dma_start3A_13 : memref<1000000x64xf32, #tpu.memory_space<hbm>>) target(%dma_start3A_8 : memref<128x64xf32, #tpu.memory_space<vmem>>) offsets(%dma_start3A_10 : memref<128xi32, #tpu.memory_space<vmem>>) semaphore(%arg9 : memref<!tpu.dma_semaphore, #tpu.memory_space<semaphore_mem>>)
    %dma_start3A_14 = arith.constant 128 : i32
    %dma_start3A_15 = arith.constant 0 : i32
    %dma_start3A_16 = tpu.memref_slice %arg7[%dma_start3A_14, %dma_start3A_15] : memref<400x64xf32, #tpu.memory_space<vmem>> -> memref<128x64xf32, #tpu.memory_space<vmem>>
    %dma_start3A_17 = arith.constant 128 : i32
    %dma_start3A_18 = tpu.memref_slice %arg5[%dma_start3A_17] : memref<400xi32, #tpu.memory_space<vmem>> -> memref<128xi32, #tpu.memory_space<vmem>>
    %dma_start3A_19 = arith.constant 0 : i32
    %dma_start3A_20 = arith.constant 0 : i32
    %dma_start3A_21 = tpu.memref_slice %arg3[%dma_start3A_19, %dma_start3A_20] : memref<1000000x64xf32, #tpu.memory_space<hbm>> -> memref<1000000x64xf32, #tpu.memory_space<hbm>>
    tpu.enqueue_indirect_dma source(%dma_start3A_21 : memref<1000000x64xf32, #tpu.memory_space<hbm>>) target(%dma_start3A_16 : memref<128x64xf32, #tpu.memory_space<vmem>>) offsets(%dma_start3A_18 : memref<128xi32, #tpu.memory_space<vmem>>) semaphore(%arg9 : memref<!tpu.dma_semaphore, #tpu.memory_space<semaphore_mem>>)
    %dma_start3A_22 = arith.constant 256 : i32
    %dma_start3A_23 = arith.constant 0 : i32
    %dma_start3A_24 = tpu.memref_slice %arg7[%dma_start3A_22, %dma_start3A_23] : memref<400x64xf32, #tpu.memory_space<vmem>> -> memref<128x64xf32, #tpu.memory_space<vmem>>
    %dma_start3A_25 = arith.constant 256 : i32
    %dma_start3A_26 = tpu.memref_slice %arg5[%dma_start3A_25] : memref<400xi32, #tpu.memory_space<vmem>> -> memref<128xi32, #tpu.memory_space<vmem>>
    %dma_start3A_27 = arith.constant 0 : i32
    %dma_start3A_28 = arith.constant 0 : i32
    %dma_start3A_29 = tpu.memref_slice %arg3[%dma_start3A_27, %dma_start3A_28] : memref<1000000x64xf32, #tpu.memory_space<hbm>> -> memref<1000000x64xf32, #tpu.memory_space<hbm>>
    tpu.enqueue_indirect_dma source(%dma_start3A_29 : memref<1000000x64xf32, #tpu.memory_space<hbm>>) target(%dma_start3A_24 : memref<128x64xf32, #tpu.memory_space<vmem>>) offsets(%dma_start3A_26 : memref<128xi32, #tpu.memory_space<vmem>>) semaphore(%arg9 : memref<!tpu.dma_semaphore, #tpu.memory_space<semaphore_mem>>)
    %dma_start3A_30 = arith.constant 384 : i32
    %dma_start3A_31 = arith.constant 0 : i32
    %dma_start3A_32 = tpu.memref_slice %arg7[%dma_start3A_30, %dma_start3A_31] : memref<400x64xf32, #tpu.memory_space<vmem>> -> memref<16x64xf32, #tpu.memory_space<vmem>>
    %dma_start3A_33 = arith.constant 384 : i32
    %dma_start3A_34 = tpu.memref_slice %arg5[%dma_start3A_33] : memref<400xi32, #tpu.memory_space<vmem>> -> memref<16xi32, #tpu.memory_space<vmem>>
    %dma_start3A_35 = arith.constant 0 : i32
    %dma_start3A_36 = arith.constant 0 : i32
    %dma_start3A_37 = tpu.memref_slice %arg3[%dma_start3A_35, %dma_start3A_36] : memref<1000000x64xf32, #tpu.memory_space<hbm>> -> memref<1000000x64xf32, #tpu.memory_space<hbm>>
    tpu.enqueue_indirect_dma source(%dma_start3A_37 : memref<1000000x64xf32, #tpu.memory_space<hbm>>) target(%dma_start3A_32 : memref<16x64xf32, #tpu.memory_space<vmem>>) offsets(%dma_start3A_34 : memref<16xi32, #tpu.memory_space<vmem>>) semaphore(%arg9 : memref<!tpu.dma_semaphore, #tpu.memory_space<semaphore_mem>>)
    %scan3A = arith.constant 0 : i32
    %scan3A_38 = arith.constant 0 : i32
    %scan3A_39 = arith.constant 32 : i32
    %scan3A_40 = arith.addi %scan3A_38, %scan3A_39 : i32
    %scan3A_41 = arith.constant 1 : i32
    scf.for %scan3A_72 = %scan3A_38 to %scan3A_40 step %scan3A_41  : i32 {
      %mul3A_73 = arith.constant 2 : i32
      %mul3A_74 = arith.muli %scan3A_72, %mul3A_73 : i32
      %add3A_75 = arith.constant 0 : i32
      %add3A_76 = arith.addi %mul3A_74, %add3A_75 : i32
      %ge3A = arith.constant 1 : i32
      %ge3A_77 = arith.cmpi sge, %add3A_76, %ge3A : i32
      %convert_element_type3A = arith.extui %ge3A_77 : i1 to i32
      %cond3A = arith.constant 0 : i32
      %cond3A_78 = arith.cmpi ne, %convert_element_type3A, %cond3A : i32
      scf.if %cond3A_78 {
        %dma_wait3A_188 = arith.constant 0 : i32
        %dma_wait3A_189 = arith.constant 0 : i32
        %dma_wait3A_190 = arith.constant 0 : i32
        %dma_wait3A_191 = tpu.memref_slice %arg8[%dma_wait3A_189, %dma_wait3A_190] : memref<400x64xf32, #tpu.memory_space<vmem>> -> memref<200x64xf32, #tpu.memory_space<vmem>>
        %dma_wait3A_192 = arith.constant 0 : i32
        %dma_wait3A_193 = arith.constant 0 : i32
        %dma_wait3A_194 = tpu.memref_slice %arg4[%dma_wait3A_188, %dma_wait3A_192, %dma_wait3A_193] : memref<4096x200x64xf32, #tpu.memory_space<hbm>> -> memref<1x200x64xf32, #tpu.memory_space<hbm>>
        %dma_wait3A_195 = tpu.memref_squeeze %dma_wait3A_194 : memref<1x200x64xf32, #tpu.memory_space<hbm>> -> memref<200x64xf32, #tpu.memory_space<hbm>>
        %dma_wait3A_196 = arith.constant 0 : i32
        %dma_wait3A_197 = arith.constant 0 : i32
        %dma_wait3A_198 = tpu.memref_slice %arg4[%dma_wait3A_188, %dma_wait3A_196, %dma_wait3A_197] : memref<4096x200x64xf32, #tpu.memory_space<hbm>> -> memref<1x200x64xf32, #tpu.memory_space<hbm>>
        %dma_wait3A_199 = tpu.memref_squeeze %dma_wait3A_198 : memref<1x200x64xf32, #tpu.memory_space<hbm>> -> memref<200x64xf32, #tpu.memory_space<hbm>>
        %dma_wait3A_200 = arith.constant 0 : i32
        %dma_wait3A_201 = arith.constant 0 : i32
        %dma_wait3A_202 = tpu.memref_slice %arg8[%dma_wait3A_200, %dma_wait3A_201] : memref<400x64xf32, #tpu.memory_space<vmem>> -> memref<200x64xf32, #tpu.memory_space<vmem>>
        tpu.wait_dma2 semaphore(%arg12 : memref<!tpu.dma_semaphore, #tpu.memory_space<semaphore_mem>>) src(%dma_wait3A_202 : memref<200x64xf32, #tpu.memory_space<vmem>>) dst(%dma_wait3A_199 : memref<200x64xf32, #tpu.memory_space<hbm>>)
        %dma_wait3A_203 = arith.constant 0 : i32
        %dma_wait3A_204 = arith.constant 200 : i32
        %dma_wait3A_205 = arith.constant 0 : i32
        %dma_wait3A_206 = tpu.memref_slice %arg8[%dma_wait3A_204, %dma_wait3A_205] : memref<400x64xf32, #tpu.memory_space<vmem>> -> memref<200x64xf32, #tpu.memory_space<vmem>>
        %dma_wait3A_207 = arith.constant 0 : i32
        %dma_wait3A_208 = arith.constant 0 : i32
        %dma_wait3A_209 = tpu.memref_slice %arg4[%dma_wait3A_203, %dma_wait3A_207, %dma_wait3A_208] : memref<4096x200x64xf32, #tpu.memory_space<hbm>> -> memref<1x200x64xf32, #tpu.memory_space<hbm>>
        %dma_wait3A_210 = tpu.memref_squeeze %dma_wait3A_209 : memref<1x200x64xf32, #tpu.memory_space<hbm>> -> memref<200x64xf32, #tpu.memory_space<hbm>>
        %dma_wait3A_211 = arith.constant 0 : i32
        %dma_wait3A_212 = arith.constant 0 : i32
        %dma_wait3A_213 = tpu.memref_slice %arg4[%dma_wait3A_203, %dma_wait3A_211, %dma_wait3A_212] : memref<4096x200x64xf32, #tpu.memory_space<hbm>> -> memref<1x200x64xf32, #tpu.memory_space<hbm>>
        %dma_wait3A_214 = tpu.memref_squeeze %dma_wait3A_213 : memref<1x200x64xf32, #tpu.memory_space<hbm>> -> memref<200x64xf32, #tpu.memory_space<hbm>>
        %dma_wait3A_215 = arith.constant 200 : i32
        %dma_wait3A_216 = arith.constant 0 : i32
        %dma_wait3A_217 = tpu.memref_slice %arg8[%dma_wait3A_215, %dma_wait3A_216] : memref<400x64xf32, #tpu.memory_space<vmem>> -> memref<200x64xf32, #tpu.memory_space<vmem>>
        tpu.wait_dma2 semaphore(%arg12 : memref<!tpu.dma_semaphore, #tpu.memory_space<semaphore_mem>>) src(%dma_wait3A_217 : memref<200x64xf32, #tpu.memory_space<vmem>>) dst(%dma_wait3A_214 : memref<200x64xf32, #tpu.memory_space<hbm>>)
      } else {
      }
      %add3A_79 = arith.constant 1 : i32
      %add3A_80 = arith.addi %add3A_76, %add3A_79 : i32
      %lt3A = arith.constant 64 : i32
      %lt3A_81 = arith.cmpi slt, %add3A_80, %lt3A : i32
      %convert_element_type3A_82 = arith.extui %lt3A_81 : i1 to i32
      %cond3A_83 = arith.constant 0 : i32
      %cond3A_84 = arith.cmpi ne, %convert_element_type3A_82, %cond3A_83 : i32
      scf.if %cond3A_84 {
        %add3A_188 = arith.constant 1 : i32
        %add3A_189 = arith.addi %add3A_76, %add3A_188 : i32
        %mul3A_190 = arith.constant 2 : i32
        %mul3A_191 = arith.muli %add3A_189, %mul3A_190 : i32
        %add3A_192 = arith.addi %mul3A_2, %mul3A_191 : i32
        %mul3A_193 = arith.constant 200 : i32
        %mul3A_194 = arith.muli %add3A_192, %mul3A_193 : i32
        "tpu.region"() ({
          %run_scoped3A = tpu.sem_alloc : memref<!tpu.dma_semaphore, #tpu.memory_space<semaphore_mem>>
          %dma_start3A_227 = tpu.memref_slice %arg2[%mul3A_194] : memref<819200xi32, #tpu.memory_space<hbm>> -> memref<400xi32, #tpu.memory_space<hbm>>
          %dma_start3A_228 = tpu.memref_slice %arg2[%mul3A_194] : memref<819200xi32, #tpu.memory_space<hbm>> -> memref<400xi32, #tpu.memory_space<hbm>>
          tpu.enqueue_dma source(%dma_start3A_228 : memref<400xi32, #tpu.memory_space<hbm>>) target(%arg6 : memref<400xi32, #tpu.memory_space<vmem>>) target_semaphore(%run_scoped3A : memref<!tpu.dma_semaphore, #tpu.memory_space<semaphore_mem>>)
          %dma_wait3A_229 = tpu.memref_slice %arg2[%mul3A_194] : memref<819200xi32, #tpu.memory_space<hbm>> -> memref<400xi32, #tpu.memory_space<hbm>>
          %dma_wait3A_230 = tpu.memref_slice %arg2[%mul3A_194] : memref<819200xi32, #tpu.memory_space<hbm>> -> memref<400xi32, #tpu.memory_space<hbm>>
          tpu.wait_dma2 semaphore(%run_scoped3A : memref<!tpu.dma_semaphore, #tpu.memory_space<semaphore_mem>>) src(%dma_wait3A_230 : memref<400xi32, #tpu.memory_space<hbm>>) dst(%arg6 : memref<400xi32, #tpu.memory_space<vmem>>)
          tpu.yield
        }) : () -> ()
        %dma_start3A_195 = arith.constant 0 : i32
        %dma_start3A_196 = arith.constant 0 : i32
        %dma_start3A_197 = tpu.memref_slice %arg8[%dma_start3A_195, %dma_start3A_196] : memref<400x64xf32, #tpu.memory_space<vmem>> -> memref<128x64xf32, #tpu.memory_space<vmem>>
        %dma_start3A_198 = arith.constant 0 : i32
        %dma_start3A_199 = tpu.memref_slice %arg6[%dma_start3A_198] : memref<400xi32, #tpu.memory_space<vmem>> -> memref<128xi32, #tpu.memory_space<vmem>>
        %dma_start3A_200 = arith.constant 0 : i32
        %dma_start3A_201 = arith.constant 0 : i32
        %dma_start3A_202 = tpu.memref_slice %arg3[%dma_start3A_200, %dma_start3A_201] : memref<1000000x64xf32, #tpu.memory_space<hbm>> -> memref<1000000x64xf32, #tpu.memory_space<hbm>>
        tpu.enqueue_indirect_dma source(%dma_start3A_202 : memref<1000000x64xf32, #tpu.memory_space<hbm>>) target(%dma_start3A_197 : memref<128x64xf32, #tpu.memory_space<vmem>>) offsets(%dma_start3A_199 : memref<128xi32, #tpu.memory_space<vmem>>) semaphore(%arg10 : memref<!tpu.dma_semaphore, #tpu.memory_space<semaphore_mem>>)
        %dma_start3A_203 = arith.constant 128 : i32
        %dma_start3A_204 = arith.constant 0 : i32
        %dma_start3A_205 = tpu.memref_slice %arg8[%dma_start3A_203, %dma_start3A_204] : memref<400x64xf32, #tpu.memory_space<vmem>> -> memref<128x64xf32, #tpu.memory_space<vmem>>
        %dma_start3A_206 = arith.constant 128 : i32
        %dma_start3A_207 = tpu.memref_slice %arg6[%dma_start3A_206] : memref<400xi32, #tpu.memory_space<vmem>> -> memref<128xi32, #tpu.memory_space<vmem>>
        %dma_start3A_208 = arith.constant 0 : i32
        %dma_start3A_209 = arith.constant 0 : i32
        %dma_start3A_210 = tpu.memref_slice %arg3[%dma_start3A_208, %dma_start3A_209] : memref<1000000x64xf32, #tpu.memory_space<hbm>> -> memref<1000000x64xf32, #tpu.memory_space<hbm>>
        tpu.enqueue_indirect_dma source(%dma_start3A_210 : memref<1000000x64xf32, #tpu.memory_space<hbm>>) target(%dma_start3A_205 : memref<128x64xf32, #tpu.memory_space<vmem>>) offsets(%dma_start3A_207 : memref<128xi32, #tpu.memory_space<vmem>>) semaphore(%arg10 : memref<!tpu.dma_semaphore, #tpu.memory_space<semaphore_mem>>)
        %dma_start3A_211 = arith.constant 256 : i32
        %dma_start3A_212 = arith.constant 0 : i32
        %dma_start3A_213 = tpu.memref_slice %arg8[%dma_start3A_211, %dma_start3A_212] : memref<400x64xf32, #tpu.memory_space<vmem>> -> memref<128x64xf32, #tpu.memory_space<vmem>>
        %dma_start3A_214 = arith.constant 256 : i32
        %dma_start3A_215 = tpu.memref_slice %arg6[%dma_start3A_214] : memref<400xi32, #tpu.memory_space<vmem>> -> memref<128xi32, #tpu.memory_space<vmem>>
        %dma_start3A_216 = arith.constant 0 : i32
        %dma_start3A_217 = arith.constant 0 : i32
        %dma_start3A_218 = tpu.memref_slice %arg3[%dma_start3A_216, %dma_start3A_217] : memref<1000000x64xf32, #tpu.memory_space<hbm>> -> memref<1000000x64xf32, #tpu.memory_space<hbm>>
        tpu.enqueue_indirect_dma source(%dma_start3A_218 : memref<1000000x64xf32, #tpu.memory_space<hbm>>) target(%dma_start3A_213 : memref<128x64xf32, #tpu.memory_space<vmem>>) offsets(%dma_start3A_215 : memref<128xi32, #tpu.memory_space<vmem>>) semaphore(%arg10 : memref<!tpu.dma_semaphore, #tpu.memory_space<semaphore_mem>>)
        %dma_start3A_219 = arith.constant 384 : i32
        %dma_start3A_220 = arith.constant 0 : i32
        %dma_start3A_221 = tpu.memref_slice %arg8[%dma_start3A_219, %dma_start3A_220] : memref<400x64xf32, #tpu.memory_space<vmem>> -> memref<16x64xf32, #tpu.memory_space<vmem>>
        %dma_start3A_222 = arith.constant 384 : i32
        %dma_start3A_223 = tpu.memref_slice %arg6[%dma_start3A_222] : memref<400xi32, #tpu.memory_space<vmem>> -> memref<16xi32, #tpu.memory_space<vmem>>
        %dma_start3A_224 = arith.constant 0 : i32
        %dma_start3A_225 = arith.constant 0 : i32
        %dma_start3A_226 = tpu.memref_slice %arg3[%dma_start3A_224, %dma_start3A_225] : memref<1000000x64xf32, #tpu.memory_space<hbm>> -> memref<1000000x64xf32, #tpu.memory_space<hbm>>
        tpu.enqueue_indirect_dma source(%dma_start3A_226 : memref<1000000x64xf32, #tpu.memory_space<hbm>>) target(%dma_start3A_221 : memref<16x64xf32, #tpu.memory_space<vmem>>) offsets(%dma_start3A_223 : memref<16xi32, #tpu.memory_space<vmem>>) semaphore(%arg10 : memref<!tpu.dma_semaphore, #tpu.memory_space<semaphore_mem>>)
      } else {
      }
      %dma_wait3A_85 = arith.constant 0 : i32
      %dma_wait3A_86 = arith.constant 0 : i32
      %dma_wait3A_87 = tpu.memref_slice %arg3[%dma_wait3A_85, %dma_wait3A_86] : memref<1000000x64xf32, #tpu.memory_space<hbm>> -> memref<400x64xf32, #tpu.memory_space<hbm>>
      %dma_wait3A_88 = arith.constant 0 : i32
      %dma_wait3A_89 = arith.constant 0 : i32
      %dma_wait3A_90 = tpu.memref_slice %arg3[%dma_wait3A_88, %dma_wait3A_89] : memref<1000000x64xf32, #tpu.memory_space<hbm>> -> memref<400x64xf32, #tpu.memory_space<hbm>>
      tpu.wait_dma2 semaphore(%arg9 : memref<!tpu.dma_semaphore, #tpu.memory_space<semaphore_mem>>) src(%dma_wait3A_90 : memref<400x64xf32, #tpu.memory_space<hbm>>) dst(%arg7 : memref<400x64xf32, #tpu.memory_space<vmem>>)
      %parallel_loop3A = arith.constant 0 : i32
      %parallel_loop3A_91 = arith.constant 400 : i32
      %parallel_loop3A_92 = arith.constant 1 : i32
      scf.for %parallel_loop3A_188 = %parallel_loop3A to %parallel_loop3A_91 step %parallel_loop3A_92  : i32 {
        %parallel_loop3A_189 = arith.index_cast %parallel_loop3A_188 : i32 to index
        %parallel_loop3A_190 = arith.constant 0 : index
        %parallel_loop3A_191 = tpu.vector_load %arg7[%parallel_loop3A_189, %parallel_loop3A_190] {strides = array<i32>} : memref<400x64xf32, #tpu.memory_space<vmem>>, vector<1x16xf32>,
        %parallel_loop3A_192 = vector.shape_cast %parallel_loop3A_191 : vector<1x16xf32> to vector<16xf32>
        %parallel_loop3A_193 = arith.constant 8.000000e+00 : f32
        %parallel_loop3A_194 = vector.broadcast %parallel_loop3A_193 : f32 to vector<16xf32>
        %parallel_loop3A_195 = arith.mulf %parallel_loop3A_192, %parallel_loop3A_194 : vector<16xf32>
        %parallel_loop3A_196 = arith.index_cast %parallel_loop3A_188 : i32 to index
        %parallel_loop3A_197 = arith.constant 0 : index
        %parallel_loop3A_198 = tpu.vector_load %arg7[%parallel_loop3A_196, %parallel_loop3A_197] {strides = array<i32>} : memref<400x64xf32, #tpu.memory_space<vmem>>, vector<1x16xf32>,
        %parallel_loop3A_199 = vector.shape_cast %parallel_loop3A_198 : vector<1x16xf32> to vector<16xf32>
        %parallel_loop3A_200 = vector.shape_cast %parallel_loop3A_195 : vector<16xf32> to vector<1x16xf32>
        tpu.vector_store %arg7[%parallel_loop3A_196, %parallel_loop3A_197], %parallel_loop3A_200 {strides = array<i32>} : memref<400x64xf32, #tpu.memory_space<vmem>>, vector<1x16xf32>,
        %parallel_loop3A_201 = arith.index_cast %parallel_loop3A_188 : i32 to index
        %parallel_loop3A_202 = arith.constant 16 : index
        %parallel_loop3A_203 = tpu.vector_load %arg7[%parallel_loop3A_201, %parallel_loop3A_202] {strides = array<i32>} : memref<400x64xf32, #tpu.memory_space<vmem>>, vector<1x16xf32>,
        %parallel_loop3A_204 = vector.shape_cast %parallel_loop3A_203 : vector<1x16xf32> to vector<16xf32>
        %parallel_loop3A_205 = arith.constant 8.000000e+00 : f32
        %parallel_loop3A_206 = vector.broadcast %parallel_loop3A_205 : f32 to vector<16xf32>
        %parallel_loop3A_207 = arith.mulf %parallel_loop3A_204, %parallel_loop3A_206 : vector<16xf32>
        %parallel_loop3A_208 = arith.index_cast %parallel_loop3A_188 : i32 to index
        %parallel_loop3A_209 = arith.constant 16 : index
        %parallel_loop3A_210 = tpu.vector_load %arg7[%parallel_loop3A_208, %parallel_loop3A_209] {strides = array<i32>} : memref<400x64xf32, #tpu.memory_space<vmem>>, vector<1x16xf32>,
        %parallel_loop3A_211 = vector.shape_cast %parallel_loop3A_210 : vector<1x16xf32> to vector<16xf32>
        %parallel_loop3A_212 = vector.shape_cast %parallel_loop3A_207 : vector<16xf32> to vector<1x16xf32>
        tpu.vector_store %arg7[%parallel_loop3A_208, %parallel_loop3A_209], %parallel_loop3A_212 {strides = array<i32>} : memref<400x64xf32, #tpu.memory_space<vmem>>, vector<1x16xf32>,
        %parallel_loop3A_213 = arith.index_cast %parallel_loop3A_188 : i32 to index
        %parallel_loop3A_214 = arith.constant 32 : index
        %parallel_loop3A_215 = tpu.vector_load %arg7[%parallel_loop3A_213, %parallel_loop3A_214] {strides = array<i32>} : memref<400x64xf32, #tpu.memory_space<vmem>>, vector<1x16xf32>,
        %parallel_loop3A_216 = vector.shape_cast %parallel_loop3A_215 : vector<1x16xf32> to vector<16xf32>
        %parallel_loop3A_217 = arith.constant 8.000000e+00 : f32
        %parallel_loop3A_218 = vector.broadcast %parallel_loop3A_217 : f32 to vector<16xf32>
        %parallel_loop3A_219 = arith.mulf %parallel_loop3A_216, %parallel_loop3A_218 : vector<16xf32>
        %parallel_loop3A_220 = arith.index_cast %parallel_loop3A_188 : i32 to index
        %parallel_loop3A_221 = arith.constant 32 : index
        %parallel_loop3A_222 = tpu.vector_load %arg7[%parallel_loop3A_220, %parallel_loop3A_221] {strides = array<i32>} : memref<400x64xf32, #tpu.memory_space<vmem>>, vector<1x16xf32>,
        %parallel_loop3A_223 = vector.shape_cast %parallel_loop3A_222 : vector<1x16xf32> to vector<16xf32>
        %parallel_loop3A_224 = vector.shape_cast %parallel_loop3A_219 : vector<16xf32> to vector<1x16xf32>
        tpu.vector_store %arg7[%parallel_loop3A_220, %parallel_loop3A_221], %parallel_loop3A_224 {strides = array<i32>} : memref<400x64xf32, #tpu.memory_space<vmem>>, vector<1x16xf32>,
        %parallel_loop3A_225 = arith.index_cast %parallel_loop3A_188 : i32 to index
        %parallel_loop3A_226 = arith.constant 48 : index
        %parallel_loop3A_227 = tpu.vector_load %arg7[%parallel_loop3A_225, %parallel_loop3A_226] {strides = array<i32>} : memref<400x64xf32, #tpu.memory_space<vmem>>, vector<1x16xf32>,
        %parallel_loop3A_228 = vector.shape_cast %parallel_loop3A_227 : vector<1x16xf32> to vector<16xf32>
        %parallel_loop3A_229 = arith.constant 8.000000e+00 : f32
        %parallel_loop3A_230 = vector.broadcast %parallel_loop3A_229 : f32 to vector<16xf32>
        %parallel_loop3A_231 = arith.mulf %parallel_loop3A_228, %parallel_loop3A_230 : vector<16xf32>
        %parallel_loop3A_232 = arith.index_cast %parallel_loop3A_188 : i32 to index
        %parallel_loop3A_233 = arith.constant 48 : index
        %parallel_loop3A_234 = tpu.vector_load %arg7[%parallel_loop3A_232, %parallel_loop3A_233] {strides = array<i32>} : memref<400x64xf32, #tpu.memory_space<vmem>>, vector<1x16xf32>,
        %parallel_loop3A_235 = vector.shape_cast %parallel_loop3A_234 : vector<1x16xf32> to vector<16xf32>
        %parallel_loop3A_236 = vector.shape_cast %parallel_loop3A_231 : vector<16xf32> to vector<1x16xf32>
        tpu.vector_store %arg7[%parallel_loop3A_232, %parallel_loop3A_233], %parallel_loop3A_236 {strides = array<i32>} : memref<400x64xf32, #tpu.memory_space<vmem>>, vector<1x16xf32>,
      } {sc.loop_unroll_factor = 4 : i64, sc.parallel_access}
      %mul3A_93 = arith.constant 2 : i32
      %mul3A_94 = arith.muli %add3A_76, %mul3A_93 : i32
      %add3A_95 = arith.addi %mul3A_2, %mul3A_94 : i32
      %add3A_96 = arith.constant 0 : i32
      %add3A_97 = arith.addi %add3A_95, %add3A_96 : i32
      %dma_start3A_98 = arith.constant 0 : i32
      %dma_start3A_99 = arith.constant 0 : i32
      %dma_start3A_100 = tpu.memref_slice %arg7[%dma_start3A_98, %dma_start3A_99] : memref<400x64xf32, #tpu.memory_space<vmem>> -> memref<200x64xf32, #tpu.memory_space<vmem>>
      %dma_start3A_101 = arith.constant 0 : i32
      %dma_start3A_102 = arith.constant 0 : i32
      %dma_start3A_103 = tpu.memref_slice %arg4[%add3A_97, %dma_start3A_101, %dma_start3A_102] : memref<4096x200x64xf32, #tpu.memory_space<hbm>> -> memref<1x200x64xf32, #tpu.memory_space<hbm>>
      %dma_start3A_104 = tpu.memref_squeeze %dma_start3A_103 : memref<1x200x64xf32, #tpu.memory_space<hbm>> -> memref<200x64xf32, #tpu.memory_space<hbm>>
      %dma_start3A_105 = arith.constant 0 : i32
      %dma_start3A_106 = arith.constant 0 : i32
      %dma_start3A_107 = tpu.memref_slice %arg4[%add3A_97, %dma_start3A_105, %dma_start3A_106] : memref<4096x200x64xf32, #tpu.memory_space<hbm>> -> memref<1x200x64xf32, #tpu.memory_space<hbm>>
      %dma_start3A_108 = tpu.memref_squeeze %dma_start3A_107 : memref<1x200x64xf32, #tpu.memory_space<hbm>> -> memref<200x64xf32, #tpu.memory_space<hbm>>
      %dma_start3A_109 = arith.constant 0 : i32
      %dma_start3A_110 = arith.constant 0 : i32
      %dma_start3A_111 = tpu.memref_slice %arg7[%dma_start3A_109, %dma_start3A_110] : memref<400x64xf32, #tpu.memory_space<vmem>> -> memref<200x64xf32, #tpu.memory_space<vmem>>
      tpu.enqueue_dma source(%dma_start3A_111 : memref<200x64xf32, #tpu.memory_space<vmem>>) target(%dma_start3A_108 : memref<200x64xf32, #tpu.memory_space<hbm>>) target_semaphore(%arg11 : memref<!tpu.dma_semaphore, #tpu.memory_space<semaphore_mem>>)
      %add3A_112 = arith.constant 1 : i32
      %add3A_113 = arith.addi %add3A_95, %add3A_112 : i32
      %dma_start3A_114 = arith.constant 200 : i32
      %dma_start3A_115 = arith.constant 0 : i32
      %dma_start3A_116 = tpu.memref_slice %arg7[%dma_start3A_114, %dma_start3A_115] : memref<400x64xf32, #tpu.memory_space<vmem>> -> memref<200x64xf32, #tpu.memory_space<vmem>>
      %dma_start3A_117 = arith.constant 0 : i32
      %dma_start3A_118 = arith.constant 0 : i32
      %dma_start3A_119 = tpu.memref_slice %arg4[%add3A_113, %dma_start3A_117, %dma_start3A_118] : memref<4096x200x64xf32, #tpu.memory_space<hbm>> -> memref<1x200x64xf32, #tpu.memory_space<hbm>>
      %dma_start3A_120 = tpu.memref_squeeze %dma_start3A_119 : memref<1x200x64xf32, #tpu.memory_space<hbm>> -> memref<200x64xf32, #tpu.memory_space<hbm>>
      %dma_start3A_121 = arith.constant 0 : i32
      %dma_start3A_122 = arith.constant 0 : i32
      %dma_start3A_123 = tpu.memref_slice %arg4[%add3A_113, %dma_start3A_121, %dma_start3A_122] : memref<4096x200x64xf32, #tpu.memory_space<hbm>> -> memref<1x200x64xf32, #tpu.memory_space<hbm>>
      %dma_start3A_124 = tpu.memref_squeeze %dma_start3A_123 : memref<1x200x64xf32, #tpu.memory_space<hbm>> -> memref<200x64xf32, #tpu.memory_space<hbm>>
      %dma_start3A_125 = arith.constant 200 : i32
      %dma_start3A_126 = arith.constant 0 : i32
      %dma_start3A_127 = tpu.memref_slice %arg7[%dma_start3A_125, %dma_start3A_126] : memref<400x64xf32, #tpu.memory_space<vmem>> -> memref<200x64xf32, #tpu.memory_space<vmem>>
      tpu.enqueue_dma source(%dma_start3A_127 : memref<200x64xf32, #tpu.memory_space<vmem>>) target(%dma_start3A_124 : memref<200x64xf32, #tpu.memory_space<hbm>>) target_semaphore(%arg11 : memref<!tpu.dma_semaphore, #tpu.memory_space<semaphore_mem>>)
      %mul3A_128 = arith.constant 2 : i32
      %mul3A_129 = arith.muli %scan3A_72, %mul3A_128 : i32
      %add3A_130 = arith.constant 1 : i32
      %add3A_131 = arith.addi %mul3A_129, %add3A_130 : i32
      %ge3A_132 = arith.constant 1 : i32
      %ge3A_133 = arith.cmpi sge, %add3A_131, %ge3A_132 : i32
      %convert_element_type3A_134 = arith.extui %ge3A_133 : i1 to i32
      %cond3A_135 = arith.constant 0 : i32
      %cond3A_136 = arith.cmpi ne, %convert_element_type3A_134, %cond3A_135 : i32
      scf.if %cond3A_136 {
        %dma_wait3A_188 = arith.constant 0 : i32
        %dma_wait3A_189 = arith.constant 0 : i32
        %dma_wait3A_190 = arith.constant 0 : i32
        %dma_wait3A_191 = tpu.memref_slice %arg7[%dma_wait3A_189, %dma_wait3A_190] : memref<400x64xf32, #tpu.memory_space<vmem>> -> memref<200x64xf32, #tpu.memory_space<vmem>>
        %dma_wait3A_192 = arith.constant 0 : i32
        %dma_wait3A_193 = arith.constant 0 : i32
        %dma_wait3A_194 = tpu.memref_slice %arg4[%dma_wait3A_188, %dma_wait3A_192, %dma_wait3A_193] : memref<4096x200x64xf32, #tpu.memory_space<hbm>> -> memref<1x200x64xf32, #tpu.memory_space<hbm>>
        %dma_wait3A_195 = tpu.memref_squeeze %dma_wait3A_194 : memref<1x200x64xf32, #tpu.memory_space<hbm>> -> memref<200x64xf32, #tpu.memory_space<hbm>>
        %dma_wait3A_196 = arith.constant 0 : i32
        %dma_wait3A_197 = arith.constant 0 : i32
        %dma_wait3A_198 = tpu.memref_slice %arg4[%dma_wait3A_188, %dma_wait3A_196, %dma_wait3A_197] : memref<4096x200x64xf32, #tpu.memory_space<hbm>> -> memref<1x200x64xf32, #tpu.memory_space<hbm>>
        %dma_wait3A_199 = tpu.memref_squeeze %dma_wait3A_198 : memref<1x200x64xf32, #tpu.memory_space<hbm>> -> memref<200x64xf32, #tpu.memory_space<hbm>>
        %dma_wait3A_200 = arith.constant 0 : i32
        %dma_wait3A_201 = arith.constant 0 : i32
        %dma_wait3A_202 = tpu.memref_slice %arg7[%dma_wait3A_200, %dma_wait3A_201] : memref<400x64xf32, #tpu.memory_space<vmem>> -> memref<200x64xf32, #tpu.memory_space<vmem>>
        tpu.wait_dma2 semaphore(%arg11 : memref<!tpu.dma_semaphore, #tpu.memory_space<semaphore_mem>>) src(%dma_wait3A_202 : memref<200x64xf32, #tpu.memory_space<vmem>>) dst(%dma_wait3A_199 : memref<200x64xf32, #tpu.memory_space<hbm>>)
        %dma_wait3A_203 = arith.constant 0 : i32
        %dma_wait3A_204 = arith.constant 200 : i32
        %dma_wait3A_205 = arith.constant 0 : i32
        %dma_wait3A_206 = tpu.memref_slice %arg7[%dma_wait3A_204, %dma_wait3A_205] : memref<400x64xf32, #tpu.memory_space<vmem>> -> memref<200x64xf32, #tpu.memory_space<vmem>>
        %dma_wait3A_207 = arith.constant 0 : i32
        %dma_wait3A_208 = arith.constant 0 : i32
        %dma_wait3A_209 = tpu.memref_slice %arg4[%dma_wait3A_203, %dma_wait3A_207, %dma_wait3A_208] : memref<4096x200x64xf32, #tpu.memory_space<hbm>> -> memref<1x200x64xf32, #tpu.memory_space<hbm>>
        %dma_wait3A_210 = tpu.memref_squeeze %dma_wait3A_209 : memref<1x200x64xf32, #tpu.memory_space<hbm>> -> memref<200x64xf32, #tpu.memory_space<hbm>>
        %dma_wait3A_211 = arith.constant 0 : i32
        %dma_wait3A_212 = arith.constant 0 : i32
        %dma_wait3A_213 = tpu.memref_slice %arg4[%dma_wait3A_203, %dma_wait3A_211, %dma_wait3A_212] : memref<4096x200x64xf32, #tpu.memory_space<hbm>> -> memref<1x200x64xf32, #tpu.memory_space<hbm>>
        %dma_wait3A_214 = tpu.memref_squeeze %dma_wait3A_213 : memref<1x200x64xf32, #tpu.memory_space<hbm>> -> memref<200x64xf32, #tpu.memory_space<hbm>>
        %dma_wait3A_215 = arith.constant 200 : i32
        %dma_wait3A_216 = arith.constant 0 : i32
        %dma_wait3A_217 = tpu.memref_slice %arg7[%dma_wait3A_215, %dma_wait3A_216] : memref<400x64xf32, #tpu.memory_space<vmem>> -> memref<200x64xf32, #tpu.memory_space<vmem>>
        tpu.wait_dma2 semaphore(%arg11 : memref<!tpu.dma_semaphore, #tpu.memory_space<semaphore_mem>>) src(%dma_wait3A_217 : memref<200x64xf32, #tpu.memory_space<vmem>>) dst(%dma_wait3A_214 : memref<200x64xf32, #tpu.memory_space<hbm>>)
      } else {
      }
      %add3A_137 = arith.constant 1 : i32
      %add3A_138 = arith.addi %add3A_131, %add3A_137 : i32
      %lt3A_139 = arith.constant 64 : i32
      %lt3A_140 = arith.cmpi slt, %add3A_138, %lt3A_139 : i32
      %convert_element_type3A_141 = arith.extui %lt3A_140 : i1 to i32
      %cond3A_142 = arith.constant 0 : i32
      %cond3A_143 = arith.cmpi ne, %convert_element_type3A_141, %cond3A_142 : i32
      scf.if %cond3A_143 {
        %add3A_188 = arith.constant 1 : i32
        %add3A_189 = arith.addi %add3A_131, %add3A_188 : i32
        %mul3A_190 = arith.constant 2 : i32
        %mul3A_191 = arith.muli %add3A_189, %mul3A_190 : i32
        %add3A_192 = arith.addi %mul3A_2, %mul3A_191 : i32
        %mul3A_193 = arith.constant 200 : i32
        %mul3A_194 = arith.muli %add3A_192, %mul3A_193 : i32
        "tpu.region"() ({
          %run_scoped3A = tpu.sem_alloc : memref<!tpu.dma_semaphore, #tpu.memory_space<semaphore_mem>>
          %dma_start3A_227 = tpu.memref_slice %arg2[%mul3A_194] : memref<819200xi32, #tpu.memory_space<hbm>> -> memref<400xi32, #tpu.memory_space<hbm>>
          %dma_start3A_228 = tpu.memref_slice %arg2[%mul3A_194] : memref<819200xi32, #tpu.memory_space<hbm>> -> memref<400xi32, #tpu.memory_space<hbm>>
          tpu.enqueue_dma source(%dma_start3A_228 : memref<400xi32, #tpu.memory_space<hbm>>) target(%arg5 : memref<400xi32, #tpu.memory_space<vmem>>) target_semaphore(%run_scoped3A : memref<!tpu.dma_semaphore, #tpu.memory_space<semaphore_mem>>)
          %dma_wait3A_229 = tpu.memref_slice %arg2[%mul3A_194] : memref<819200xi32, #tpu.memory_space<hbm>> -> memref<400xi32, #tpu.memory_space<hbm>>
          %dma_wait3A_230 = tpu.memref_slice %arg2[%mul3A_194] : memref<819200xi32, #tpu.memory_space<hbm>> -> memref<400xi32, #tpu.memory_space<hbm>>
          tpu.wait_dma2 semaphore(%run_scoped3A : memref<!tpu.dma_semaphore, #tpu.memory_space<semaphore_mem>>) src(%dma_wait3A_230 : memref<400xi32, #tpu.memory_space<hbm>>) dst(%arg5 : memref<400xi32, #tpu.memory_space<vmem>>)
          tpu.yield
        }) : () -> ()
        %dma_start3A_195 = arith.constant 0 : i32
        %dma_start3A_196 = arith.constant 0 : i32
        %dma_start3A_197 = tpu.memref_slice %arg7[%dma_start3A_195, %dma_start3A_196] : memref<400x64xf32, #tpu.memory_space<vmem>> -> memref<128x64xf32, #tpu.memory_space<vmem>>
        %dma_start3A_198 = arith.constant 0 : i32
        %dma_start3A_199 = tpu.memref_slice %arg5[%dma_start3A_198] : memref<400xi32, #tpu.memory_space<vmem>> -> memref<128xi32, #tpu.memory_space<vmem>>
        %dma_start3A_200 = arith.constant 0 : i32
        %dma_start3A_201 = arith.constant 0 : i32
        %dma_start3A_202 = tpu.memref_slice %arg3[%dma_start3A_200, %dma_start3A_201] : memref<1000000x64xf32, #tpu.memory_space<hbm>> -> memref<1000000x64xf32, #tpu.memory_space<hbm>>
        tpu.enqueue_indirect_dma source(%dma_start3A_202 : memref<1000000x64xf32, #tpu.memory_space<hbm>>) target(%dma_start3A_197 : memref<128x64xf32, #tpu.memory_space<vmem>>) offsets(%dma_start3A_199 : memref<128xi32, #tpu.memory_space<vmem>>) semaphore(%arg9 : memref<!tpu.dma_semaphore, #tpu.memory_space<semaphore_mem>>)
        %dma_start3A_203 = arith.constant 128 : i32
        %dma_start3A_204 = arith.constant 0 : i32
        %dma_start3A_205 = tpu.memref_slice %arg7[%dma_start3A_203, %dma_start3A_204] : memref<400x64xf32, #tpu.memory_space<vmem>> -> memref<128x64xf32, #tpu.memory_space<vmem>>
        %dma_start3A_206 = arith.constant 128 : i32
        %dma_start3A_207 = tpu.memref_slice %arg5[%dma_start3A_206] : memref<400xi32, #tpu.memory_space<vmem>> -> memref<128xi32, #tpu.memory_space<vmem>>
        %dma_start3A_208 = arith.constant 0 : i32
        %dma_start3A_209 = arith.constant 0 : i32
        %dma_start3A_210 = tpu.memref_slice %arg3[%dma_start3A_208, %dma_start3A_209] : memref<1000000x64xf32, #tpu.memory_space<hbm>> -> memref<1000000x64xf32, #tpu.memory_space<hbm>>
        tpu.enqueue_indirect_dma source(%dma_start3A_210 : memref<1000000x64xf32, #tpu.memory_space<hbm>>) target(%dma_start3A_205 : memref<128x64xf32, #tpu.memory_space<vmem>>) offsets(%dma_start3A_207 : memref<128xi32, #tpu.memory_space<vmem>>) semaphore(%arg9 : memref<!tpu.dma_semaphore, #tpu.memory_space<semaphore_mem>>)
        %dma_start3A_211 = arith.constant 256 : i32
        %dma_start3A_212 = arith.constant 0 : i32
        %dma_start3A_213 = tpu.memref_slice %arg7[%dma_start3A_211, %dma_start3A_212] : memref<400x64xf32, #tpu.memory_space<vmem>> -> memref<128x64xf32, #tpu.memory_space<vmem>>
        %dma_start3A_214 = arith.constant 256 : i32
        %dma_start3A_215 = tpu.memref_slice %arg5[%dma_start3A_214] : memref<400xi32, #tpu.memory_space<vmem>> -> memref<128xi32, #tpu.memory_space<vmem>>
        %dma_start3A_216 = arith.constant 0 : i32
        %dma_start3A_217 = arith.constant 0 : i32
        %dma_start3A_218 = tpu.memref_slice %arg3[%dma_start3A_216, %dma_start3A_217] : memref<1000000x64xf32, #tpu.memory_space<hbm>> -> memref<1000000x64xf32, #tpu.memory_space<hbm>>
        tpu.enqueue_indirect_dma source(%dma_start3A_218 : memref<1000000x64xf32, #tpu.memory_space<hbm>>) target(%dma_start3A_213 : memref<128x64xf32, #tpu.memory_space<vmem>>) offsets(%dma_start3A_215 : memref<128xi32, #tpu.memory_space<vmem>>) semaphore(%arg9 : memref<!tpu.dma_semaphore, #tpu.memory_space<semaphore_mem>>)
        %dma_start3A_219 = arith.constant 384 : i32
        %dma_start3A_220 = arith.constant 0 : i32
        %dma_start3A_221 = tpu.memref_slice %arg7[%dma_start3A_219, %dma_start3A_220] : memref<400x64xf32, #tpu.memory_space<vmem>> -> memref<16x64xf32, #tpu.memory_space<vmem>>
        %dma_start3A_222 = arith.constant 384 : i32
        %dma_start3A_223 = tpu.memref_slice %arg5[%dma_start3A_222] : memref<400xi32, #tpu.memory_space<vmem>> -> memref<16xi32, #tpu.memory_space<vmem>>
        %dma_start3A_224 = arith.constant 0 : i32
        %dma_start3A_225 = arith.constant 0 : i32
        %dma_start3A_226 = tpu.memref_slice %arg3[%dma_start3A_224, %dma_start3A_225] : memref<1000000x64xf32, #tpu.memory_space<hbm>> -> memref<1000000x64xf32, #tpu.memory_space<hbm>>
        tpu.enqueue_indirect_dma source(%dma_start3A_226 : memref<1000000x64xf32, #tpu.memory_space<hbm>>) target(%dma_start3A_221 : memref<16x64xf32, #tpu.memory_space<vmem>>) offsets(%dma_start3A_223 : memref<16xi32, #tpu.memory_space<vmem>>) semaphore(%arg9 : memref<!tpu.dma_semaphore, #tpu.memory_space<semaphore_mem>>)
      } else {
      }
      %dma_wait3A_144 = arith.constant 0 : i32
      %dma_wait3A_145 = arith.constant 0 : i32
      %dma_wait3A_146 = tpu.memref_slice %arg3[%dma_wait3A_144, %dma_wait3A_145] : memref<1000000x64xf32, #tpu.memory_space<hbm>> -> memref<400x64xf32, #tpu.memory_space<hbm>>
      %dma_wait3A_147 = arith.constant 0 : i32
      %dma_wait3A_148 = arith.constant 0 : i32
      %dma_wait3A_149 = tpu.memref_slice %arg3[%dma_wait3A_147, %dma_wait3A_148] : memref<1000000x64xf32, #tpu.memory_space<hbm>> -> memref<400x64xf32, #tpu.memory_space<hbm>>
      tpu.wait_dma2 semaphore(%arg10 : memref<!tpu.dma_semaphore, #tpu.memory_space<semaphore_mem>>) src(%dma_wait3A_149 : memref<400x64xf32, #tpu.memory_space<hbm>>) dst(%arg8 : memref<400x64xf32, #tpu.memory_space<vmem>>)
      %parallel_loop3A_150 = arith.constant 0 : i32
      %parallel_loop3A_151 = arith.constant 400 : i32
      %parallel_loop3A_152 = arith.constant 1 : i32
      scf.for %parallel_loop3A_188 = %parallel_loop3A_150 to %parallel_loop3A_151 step %parallel_loop3A_152  : i32 {
        %parallel_loop3A_189 = arith.index_cast %parallel_loop3A_188 : i32 to index
        %parallel_loop3A_190 = arith.constant 0 : index
        %parallel_loop3A_191 = tpu.vector_load %arg8[%parallel_loop3A_189, %parallel_loop3A_190] {strides = array<i32>} : memref<400x64xf32, #tpu.memory_space<vmem>>, vector<1x16xf32>,
        %parallel_loop3A_192 = vector.shape_cast %parallel_loop3A_191 : vector<1x16xf32> to vector<16xf32>
        %parallel_loop3A_193 = arith.constant 8.000000e+00 : f32
        %parallel_loop3A_194 = vector.broadcast %parallel_loop3A_193 : f32 to vector<16xf32>
        %parallel_loop3A_195 = arith.mulf %parallel_loop3A_192, %parallel_loop3A_194 : vector<16xf32>
        %parallel_loop3A_196 = arith.index_cast %parallel_loop3A_188 : i32 to index
        %parallel_loop3A_197 = arith.constant 0 : index
        %parallel_loop3A_198 = tpu.vector_load %arg8[%parallel_loop3A_196, %parallel_loop3A_197] {strides = array<i32>} : memref<400x64xf32, #tpu.memory_space<vmem>>, vector<1x16xf32>,
        %parallel_loop3A_199 = vector.shape_cast %parallel_loop3A_198 : vector<1x16xf32> to vector<16xf32>
        %parallel_loop3A_200 = vector.shape_cast %parallel_loop3A_195 : vector<16xf32> to vector<1x16xf32>
        tpu.vector_store %arg8[%parallel_loop3A_196, %parallel_loop3A_197], %parallel_loop3A_200 {strides = array<i32>} : memref<400x64xf32, #tpu.memory_space<vmem>>, vector<1x16xf32>,
        %parallel_loop3A_201 = arith.index_cast %parallel_loop3A_188 : i32 to index
        %parallel_loop3A_202 = arith.constant 16 : index
        %parallel_loop3A_203 = tpu.vector_load %arg8[%parallel_loop3A_201, %parallel_loop3A_202] {strides = array<i32>} : memref<400x64xf32, #tpu.memory_space<vmem>>, vector<1x16xf32>,
        %parallel_loop3A_204 = vector.shape_cast %parallel_loop3A_203 : vector<1x16xf32> to vector<16xf32>
        %parallel_loop3A_205 = arith.constant 8.000000e+00 : f32
        %parallel_loop3A_206 = vector.broadcast %parallel_loop3A_205 : f32 to vector<16xf32>
        %parallel_loop3A_207 = arith.mulf %parallel_loop3A_204, %parallel_loop3A_206 : vector<16xf32>
        %parallel_loop3A_208 = arith.index_cast %parallel_loop3A_188 : i32 to index
        %parallel_loop3A_209 = arith.constant 16 : index
        %parallel_loop3A_210 = tpu.vector_load %arg8[%parallel_loop3A_208, %parallel_loop3A_209] {strides = array<i32>} : memref<400x64xf32, #tpu.memory_space<vmem>>, vector<1x16xf32>,
        %parallel_loop3A_211 = vector.shape_cast %parallel_loop3A_210 : vector<1x16xf32> to vector<16xf32>
        %parallel_loop3A_212 = vector.shape_cast %parallel_loop3A_207 : vector<16xf32> to vector<1x16xf32>
        tpu.vector_store %arg8[%parallel_loop3A_208, %parallel_loop3A_209], %parallel_loop3A_212 {strides = array<i32>} : memref<400x64xf32, #tpu.memory_space<vmem>>, vector<1x16xf32>,
        %parallel_loop3A_213 = arith.index_cast %parallel_loop3A_188 : i32 to index
        %parallel_loop3A_214 = arith.constant 32 : index
        %parallel_loop3A_215 = tpu.vector_load %arg8[%parallel_loop3A_213, %parallel_loop3A_214] {strides = array<i32>} : memref<400x64xf32, #tpu.memory_space<vmem>>, vector<1x16xf32>,
        %parallel_loop3A_216 = vector.shape_cast %parallel_loop3A_215 : vector<1x16xf32> to vector<16xf32>
        %parallel_loop3A_217 = arith.constant 8.000000e+00 : f32
        %parallel_loop3A_218 = vector.broadcast %parallel_loop3A_217 : f32 to vector<16xf32>
        %parallel_loop3A_219 = arith.mulf %parallel_loop3A_216, %parallel_loop3A_218 : vector<16xf32>
        %parallel_loop3A_220 = arith.index_cast %parallel_loop3A_188 : i32 to index
        %parallel_loop3A_221 = arith.constant 32 : index
        %parallel_loop3A_222 = tpu.vector_load %arg8[%parallel_loop3A_220, %parallel_loop3A_221] {strides = array<i32>} : memref<400x64xf32, #tpu.memory_space<vmem>>, vector<1x16xf32>,
        %parallel_loop3A_223 = vector.shape_cast %parallel_loop3A_222 : vector<1x16xf32> to vector<16xf32>
        %parallel_loop3A_224 = vector.shape_cast %parallel_loop3A_219 : vector<16xf32> to vector<1x16xf32>
        tpu.vector_store %arg8[%parallel_loop3A_220, %parallel_loop3A_221], %parallel_loop3A_224 {strides = array<i32>} : memref<400x64xf32, #tpu.memory_space<vmem>>, vector<1x16xf32>,
        %parallel_loop3A_225 = arith.index_cast %parallel_loop3A_188 : i32 to index
        %parallel_loop3A_226 = arith.constant 48 : index
        %parallel_loop3A_227 = tpu.vector_load %arg8[%parallel_loop3A_225, %parallel_loop3A_226] {strides = array<i32>} : memref<400x64xf32, #tpu.memory_space<vmem>>, vector<1x16xf32>,
        %parallel_loop3A_228 = vector.shape_cast %parallel_loop3A_227 : vector<1x16xf32> to vector<16xf32>
        %parallel_loop3A_229 = arith.constant 8.000000e+00 : f32
        %parallel_loop3A_230 = vector.broadcast %parallel_loop3A_229 : f32 to vector<16xf32>
        %parallel_loop3A_231 = arith.mulf %parallel_loop3A_228, %parallel_loop3A_230 : vector<16xf32>
        %parallel_loop3A_232 = arith.index_cast %parallel_loop3A_188 : i32 to index
        %parallel_loop3A_233 = arith.constant 48 : index
        %parallel_loop3A_234 = tpu.vector_load %arg8[%parallel_loop3A_232, %parallel_loop3A_233] {strides = array<i32>} : memref<400x64xf32, #tpu.memory_space<vmem>>, vector<1x16xf32>,
        %parallel_loop3A_235 = vector.shape_cast %parallel_loop3A_234 : vector<1x16xf32> to vector<16xf32>
        %parallel_loop3A_236 = vector.shape_cast %parallel_loop3A_231 : vector<16xf32> to vector<1x16xf32>
        tpu.vector_store %arg8[%parallel_loop3A_232, %parallel_loop3A_233], %parallel_loop3A_236 {strides = array<i32>} : memref<400x64xf32, #tpu.memory_space<vmem>>, vector<1x16xf32>,
      } {sc.loop_unroll_factor = 4 : i64, sc.parallel_access}
      %mul3A_153 = arith.constant 2 : i32
      %mul3A_154 = arith.muli %add3A_131, %mul3A_153 : i32
      %add3A_155 = arith.addi %mul3A_2, %mul3A_154 : i32
      %add3A_156 = arith.constant 0 : i32
      %add3A_157 = arith.addi %add3A_155, %add3A_156 : i32
      %dma_start3A_158 = arith.constant 0 : i32
      %dma_start3A_159 = arith.constant 0 : i32
      %dma_start3A_160 = tpu.memref_slice %arg8[%dma_start3A_158, %dma_start3A_159] : memref<400x64xf32, #tpu.memory_space<vmem>> -> memref<200x64xf32, #tpu.memory_space<vmem>>
      %dma_start3A_161 = arith.constant 0 : i32
      %dma_start3A_162 = arith.constant 0 : i32
      %dma_start3A_163 = tpu.memref_slice %arg4[%add3A_157, %dma_start3A_161, %dma_start3A_162] : memref<4096x200x64xf32, #tpu.memory_space<hbm>> -> memref<1x200x64xf32, #tpu.memory_space<hbm>>
      %dma_start3A_164 = tpu.memref_squeeze %dma_start3A_163 : memref<1x200x64xf32, #tpu.memory_space<hbm>> -> memref<200x64xf32, #tpu.memory_space<hbm>>
      %dma_start3A_165 = arith.constant 0 : i32
      %dma_start3A_166 = arith.constant 0 : i32
      %dma_start3A_167 = tpu.memref_slice %arg4[%add3A_157, %dma_start3A_165, %dma_start3A_166] : memref<4096x200x64xf32, #tpu.memory_space<hbm>> -> memref<1x200x64xf32, #tpu.memory_space<hbm>>
      %dma_start3A_168 = tpu.memref_squeeze %dma_start3A_167 : memref<1x200x64xf32, #tpu.memory_space<hbm>> -> memref<200x64xf32, #tpu.memory_space<hbm>>
      %dma_start3A_169 = arith.constant 0 : i32
      %dma_start3A_170 = arith.constant 0 : i32
      %dma_start3A_171 = tpu.memref_slice %arg8[%dma_start3A_169, %dma_start3A_170] : memref<400x64xf32, #tpu.memory_space<vmem>> -> memref<200x64xf32, #tpu.memory_space<vmem>>
      tpu.enqueue_dma source(%dma_start3A_171 : memref<200x64xf32, #tpu.memory_space<vmem>>) target(%dma_start3A_168 : memref<200x64xf32, #tpu.memory_space<hbm>>) target_semaphore(%arg12 : memref<!tpu.dma_semaphore, #tpu.memory_space<semaphore_mem>>)
      %add3A_172 = arith.constant 1 : i32
      %add3A_173 = arith.addi %add3A_155, %add3A_172 : i32
      %dma_start3A_174 = arith.constant 200 : i32
      %dma_start3A_175 = arith.constant 0 : i32
      %dma_start3A_176 = tpu.memref_slice %arg8[%dma_start3A_174, %dma_start3A_175] : memref<400x64xf32, #tpu.memory_space<vmem>> -> memref<200x64xf32, #tpu.memory_space<vmem>>
      %dma_start3A_177 = arith.constant 0 : i32
      %dma_start3A_178 = arith.constant 0 : i32
      %dma_start3A_179 = tpu.memref_slice %arg4[%add3A_173, %dma_start3A_177, %dma_start3A_178] : memref<4096x200x64xf32, #tpu.memory_space<hbm>> -> memref<1x200x64xf32, #tpu.memory_space<hbm>>
      %dma_start3A_180 = tpu.memref_squeeze %dma_start3A_179 : memref<1x200x64xf32, #tpu.memory_space<hbm>> -> memref<200x64xf32, #tpu.memory_space<hbm>>
      %dma_start3A_181 = arith.constant 0 : i32
      %dma_start3A_182 = arith.constant 0 : i32
      %dma_start3A_183 = tpu.memref_slice %arg4[%add3A_173, %dma_start3A_181, %dma_start3A_182] : memref<4096x200x64xf32, #tpu.memory_space<hbm>> -> memref<1x200x64xf32, #tpu.memory_space<hbm>>
      %dma_start3A_184 = tpu.memref_squeeze %dma_start3A_183 : memref<1x200x64xf32, #tpu.memory_space<hbm>> -> memref<200x64xf32, #tpu.memory_space<hbm>>
      %dma_start3A_185 = arith.constant 200 : i32
      %dma_start3A_186 = arith.constant 0 : i32
      %dma_start3A_187 = tpu.memref_slice %arg8[%dma_start3A_185, %dma_start3A_186] : memref<400x64xf32, #tpu.memory_space<vmem>> -> memref<200x64xf32, #tpu.memory_space<vmem>>
      tpu.enqueue_dma source(%dma_start3A_187 : memref<200x64xf32, #tpu.memory_space<vmem>>) target(%dma_start3A_184 : memref<200x64xf32, #tpu.memory_space<hbm>>) target_semaphore(%arg12 : memref<!tpu.dma_semaphore, #tpu.memory_space<semaphore_mem>>)
    }
    %scan3A_42 = arith.constant 32 : i32
    %dma_wait3A = arith.constant 0 : i32
    %dma_wait3A_43 = arith.constant 0 : i32
    %dma_wait3A_44 = arith.constant 0 : i32
    %dma_wait3A_45 = tpu.memref_slice %arg8[%dma_wait3A_43, %dma_wait3A_44] : memref<400x64xf32, #tpu.memory_space<vmem>> -> memref<200x64xf32, #tpu.memory_space<vmem>>
    %dma_wait3A_46 = arith.constant 0 : i32
    %dma_wait3A_47 = arith.constant 0 : i32
    %dma_wait3A_48 = tpu.memref_slice %arg4[%dma_wait3A, %dma_wait3A_46, %dma_wait3A_47] : memref<4096x200x64xf32, #tpu.memory_space<hbm>> -> memref<1x200x64xf32, #tpu.memory_space<hbm>>
    %dma_wait3A_49 = tpu.memref_squeeze %dma_wait3A_48 : memref<1x200x64xf32, #tpu.memory_space<hbm>> -> memref<200x64xf32, #tpu.memory_space<hbm>>
    %dma_wait3A_50 = arith.constant 0 : i32
    %dma_wait3A_51 = arith.constant 0 : i32
    %dma_wait3A_52 = tpu.memref_slice %arg4[%dma_wait3A, %dma_wait3A_50, %dma_wait3A_51] : memref<4096x200x64xf32, #tpu.memory_space<hbm>> -> memref<1x200x64xf32, #tpu.memory_space<hbm>>
    %dma_wait3A_53 = tpu.memref_squeeze %dma_wait3A_52 : memref<1x200x64xf32, #tpu.memory_space<hbm>> -> memref<200x64xf32, #tpu.memory_space<hbm>>
    %dma_wait3A_54 = arith.constant 0 : i32
    %dma_wait3A_55 = arith.constant 0 : i32
    %dma_wait3A_56 = tpu.memref_slice %arg8[%dma_wait3A_54, %dma_wait3A_55] : memref<400x64xf32, #tpu.memory_space<vmem>> -> memref<200x64xf32, #tpu.memory_space<vmem>>
    tpu.wait_dma2 semaphore(%arg12 : memref<!tpu.dma_semaphore, #tpu.memory_space<semaphore_mem>>) src(%dma_wait3A_56 : memref<200x64xf32, #tpu.memory_space<vmem>>) dst(%dma_wait3A_53 : memref<200x64xf32, #tpu.memory_space<hbm>>)
    %dma_wait3A_57 = arith.constant 0 : i32
    %dma_wait3A_58 = arith.constant 200 : i32
    %dma_wait3A_59 = arith.constant 0 : i32
    %dma_wait3A_60 = tpu.memref_slice %arg8[%dma_wait3A_58, %dma_wait3A_59] : memref<400x64xf32, #tpu.memory_space<vmem>> -> memref<200x64xf32, #tpu.memory_space<vmem>>
    %dma_wait3A_61 = arith.constant 0 : i32
    %dma_wait3A_62 = arith.constant 0 : i32
    %dma_wait3A_63 = tpu.memref_slice %arg4[%dma_wait3A_57, %dma_wait3A_61, %dma_wait3A_62] : memref<4096x200x64xf32, #tpu.memory_space<hbm>> -> memref<1x200x64xf32, #tpu.memory_space<hbm>>
    %dma_wait3A_64 = tpu.memref_squeeze %dma_wait3A_63 : memref<1x200x64xf32, #tpu.memory_space<hbm>> -> memref<200x64xf32, #tpu.memory_space<hbm>>
    %dma_wait3A_65 = arith.constant 0 : i32
    %dma_wait3A_66 = arith.constant 0 : i32
    %dma_wait3A_67 = tpu.memref_slice %arg4[%dma_wait3A_57, %dma_wait3A_65, %dma_wait3A_66] : memref<4096x200x64xf32, #tpu.memory_space<hbm>> -> memref<1x200x64xf32, #tpu.memory_space<hbm>>
    %dma_wait3A_68 = tpu.memref_squeeze %dma_wait3A_67 : memref<1x200x64xf32, #tpu.memory_space<hbm>> -> memref<200x64xf32, #tpu.memory_space<hbm>>
    %dma_wait3A_69 = arith.constant 200 : i32
    %dma_wait3A_70 = arith.constant 0 : i32
    %dma_wait3A_71 = tpu.memref_slice %arg8[%dma_wait3A_69, %dma_wait3A_70] : memref<400x64xf32, #tpu.memory_space<vmem>> -> memref<200x64xf32, #tpu.memory_space<vmem>>
    tpu.wait_dma2 semaphore(%arg12 : memref<!tpu.dma_semaphore, #tpu.memory_space<semaphore_mem>>) src(%dma_wait3A_71 : memref<200x64xf32, #tpu.memory_space<vmem>>) dst(%dma_wait3A_68 : memref<200x64xf32, #tpu.memory_space<hbm>>)
    return
  }
}

</mosaic_0001>

<sc_bundles>
// kernel: kernel.3.cloned.1.call-start
scs
__scs_entry_jumppad:
0x0: {  	(pc) =	sbr.rel $0x88, $3  }
0x1: {  	(tag) =	ssettag $0x0;
	lr =	simm.s32 $0x1  }
0x2: {  	[smem:$0x3F9F] =	sst lr;
	_ =	strace $0xD0000000  }
0x3: {  	_ = 	snop  }
0x4: {  	_ = 	snop  }
0x5: {  	_ = 	snop  }
0x6: {  	_ = 	snop  }
0x7: {  	_ = 	snop  }
__scs_overlays_trampoline_lowered:
0x8: {  	[smem:$0x3FAE] =	sst s0  }
0x9: {  	[smem:$0x3FAF] =	sst s1  }
0xa: {  	[smem:$0x3FB0] =	sst s2  }
0xb: {  	[smem:$0x3FB1] =	sst s3  }
0xc: {  	[smem:$0x3FB2] =	sst s4  }
0xd: {  	[smem:$0x3FB3] =	sst s5  }
0xe: {  	[smem:$0x3FB4] =	sst s6  }
0xf: {  	[smem:$0x3FB5] =	sst s7  }
0x10: {  	[smem:$0x3FB6] =	sst s8  }
0x11: {  	[smem:$0x3FB7] =	sst s9;
	s0 =	simm.s32 @!p0 $0x0  }
0x12: {  	s1 =	sld [smem:$0x3F9D];
	s0 =	simm.s32 @p0 $0x1  }
0x13: {  	[smem:$0x3FB8] =	sst s0;
	s0 =	simm.s32 @!p1 $0x0  }
0x14: {  	s2 =	sld [smem:$0x3F9C];
	s0 =	simm.s32 @p1 $0x1  }
0x15: {  	[smem:$0x3FB9] =	sst s0;
	s0 =	simm.s32 @!p2 $0x0  }
0x16: {  	s3 =	sld [smem:$0x3FDB];
	s0 =	simm.s32 @p2 $0x1  }
0x17: {  	s4 =	simm.s32 $0x1BF5;
	[smem:$0x3FBB] =	sst s0  }
0x18: {  	s0 =	sld [smem:$0x3F9E];
	_ =	swait.ge [sflag:s4], $0x0  }
0x19: {  	s7 =	sld [smem:$0x3F9F]  }
0x1a: {  	s8 =	sadd.s32 $0xFFFFE003, lr  }
0x1b: {  	s9 =	sadd.s32 $0xFFFFFEF7, lr;
	s5 =	simm.s32 $0xFFFFFFFF;
	p2 =	slt.u32 s8, $0xFFFFF086  }
0x1c: {  	p1 =	slt.u32 s9, $0xF7A;
	s5 =	simm.s32 @!p2 $0x0  }
0x1d: {  	s5 =	simm.s32 @p1 $0x1;
	p0 =	seq.s32 s7, s2  }
0x1e: {  	s7 =	smul.u32 @!p0 $0xF7A, s2;
	p2 =	seq.s32 @!p0 s5, $0x0  }
0x1f: {  	s9 =	smul.u32 $0xF7A, s1;
	s8 =	simm.s32 @!p0 $0x1BF5;
	p2 =	por !p2, p0  }
0x20: {  	[sflag:s8] =	ssyncset.s32 @!p0 $0xFFFFF086;
	s6 =	sadd.s32 @!p0 s3, s7;
	s7 =	simm.s32 @!p0 $0x108  }
0x21: {  	s3 =	sadd.s32 s3, s9;
	s6 =	sadd.s32 @!p0 $0x88, s6;
	s7 =	simm.s32 @p2 $0x1082  }
0x22: {  	[simem:s7], [sflag:s8] =	dma.local @!p0 [hbm:s6], $0xF7A  }
0x23: {  	s9 =	sor.u32 $0xD0000000, s2;
	s6 =	simm.s32 $0x108;
	_ =	swait.ge @!p0 [sflag:s8], $0x0  }
0x24: {  	s3 =	sadd.s32 $0x88, s3;
	s6 =	simm.s32 @!p1 $0x1082;
	[sflag:s4] =	ssyncset.s32 $0xFFFFF086  }
0x25: {  	[simem:s6], [sflag:s4] =	dma.local [hbm:s3], $0xF7A  }
0x26: {  	[smem:$0x3F9F] =	sst s1;
	(tag) =	ssettag s2;
	_ =	strace s9  }
0x27: {  	s1 =	sld [smem:$0x3FAF]  }
0x28: {  	s2 =	sld [smem:$0x3FB0]  }
0x29: {  	s4 =	sld [smem:$0x3FB2]  }
0x2a: {  	p0 =	seq.s32 s5, $0x0;
	s5 =	sld [smem:$0x3FB3]  }
0x2b: {  	s6 =	sld [smem:$0x3FB4]  }
0x2c: {  	s7 =	sld [smem:$0x3FB5]  }
0x2d: {  	s3 =	simm.s32 $0x108;
	s8 =	sld [smem:$0x3FB6]  }
0x2e: {  	s3 =	simm.s32 @!p0 $0x1082;
	s9 =	sld [smem:$0x3FB7]  }
0x2f: {  	lr =	sadd.s32 s0, s3;
	s0 =	sld [smem:$0x3FAE]  }
0x30: {  	s3 =	sld [smem:$0x3FB1]  }
0x31: {  	[smem:$0x3FBA] =	sst s10  }
0x32: {  	s10 =	sld [smem:$0x3FB8];
	_ =	sdelay $0x3  }
0x33: {  	p0 =	seq.s32 s10, $0x1;
	s10 =	sld [smem:$0x3FBA];
	_ =	sdelay $0x3  }
0x34: {  	[smem:$0x3FBA] =	sst s10  }
0x35: {  	s10 =	sld [smem:$0x3FB9];
	_ =	sdelay $0x3  }
0x36: {  	p1 =	seq.s32 s10, $0x1;
	s10 =	sld [smem:$0x3FBA];
	_ =	sdelay $0x3  }
0x37: {  	[smem:$0x3FBA] =	sst s10  }
0x38: {  	s10 =	sld [smem:$0x3FBB]  }
0x39: {  	_ = 	snop;
	(pc) =	sbr.ind lr, $3  }
0x3a: {  	_ = 	snop  }
0x3b: {  	_ = 	snop  }
0x3c: {  	p2 =	seq.s32 s10, $0x1;
	s10 =	sld [smem:$0x3FBA]  }
0x3d: {  	_ =	shalt  }
0x3e: {  	_ =	shalt  }
0x3f: {  	_ =	shalt  }
0x40: {  	_ =	shalt  }
0x41: {  	_ =	shalt  }
0x42: {  	_ =	shalt  }
0x43: {  	_ =	shalt  }
0x44: {  	_ =	shalt  }
0x45: {  	_ =	shalt  }
0x46: {  	_ =	shalt  }
0x47: {  	_ =	shalt  }
0x48: {  	_ =	shalt  }
0x49: {  	_ =	shalt  }
0x4a: {  	_ =	shalt  }
0x4b: {  	_ =	shalt  }
0x4c: {  	_ =	shalt  }
0x4d: {  	_ =	shalt  }
0x4e: {  	_ =	shalt  }
0x4f: {  	_ =	shalt  }
0x50: {  	_ =	shalt  }
0x51: {  	_ =	shalt  }
0x52: {  	_ =	shalt  }
0x53: {  	_ =	shalt  }
0x54: {  	_ =	shalt  }
0x55: {  	_ =	shalt  }
0x56: {  	_ =	shalt  }
0x57: {  	_ =	shalt  }
0x58: {  	_ =	shalt  }
0x59: {  	_ =	shalt  }
0x5a: {  	_ =	shalt  }
0x5b: {  	_ =	shalt  }
0x5c: {  	_ =	shalt  }
0x5d: {  	_ =	shalt  }
0x5e: {  	_ =	shalt  }
0x5f: {  	_ =	shalt  }
0x60: {  	_ =	shalt  }
0x61: {  	_ =	shalt  }
0x62: {  	_ =	shalt  }
0x63: {  	_ =	shalt  }
0x64: {  	_ =	shalt  }
0x65: {  	_ =	shalt  }
0x66: {  	_ =	shalt  }
0x67: {  	_ =	shalt  }
0x68: {  	_ =	shalt  }
0x69: {  	_ =	shalt  }
0x6a: {  	_ =	shalt  }
0x6b: {  	_ =	shalt  }
0x6c: {  	_ =	shalt  }
0x6d: {  	_ =	shalt  }
0x6e: {  	_ =	shalt  }
0x6f: {  	_ =	shalt  }
0x70: {  	_ =	shalt  }
0x71: {  	_ =	shalt  }
0x72: {  	_ =	shalt  }
0x73: {  	_ =	shalt  }
0x74: {  	_ =	shalt  }
0x75: {  	_ =	shalt  }
0x76: {  	_ =	shalt  }
0x77: {  	_ =	shalt  }
0x78: {  	_ =	shalt  }
0x79: {  	_ =	shalt  }
0x7a: {  	_ =	shalt  }
0x7b: {  	_ =	shalt  }
0x7c: {  	_ =	shalt  }
0x7d: {  	_ =	shalt  }
0x7e: {  	_ =	shalt  }
0x7f: {  	_ =	shalt  }
0x80: {  	_ =	shalt  }
0x81: {  	_ =	shalt  }
0x82: {  	_ =	shalt  }
0x83: {  	_ =	shalt  }
0x84: {  	_ =	shalt  }
0x85: {  	_ =	shalt  }
0x86: {  	_ =	shalt  }
0x87: {  	_ =	shalt  }
.Lfunc_end0:
.L_simem_size_0:
called_computation.1_lowered:
.L_overlay_start_0:
0x88: {  	s2 =	sld [smem:$0x3FD9]  }
0x89: {  	s3 =	sld [smem:$0x3FFE];
	_ =	sdelay $0x1  }
0x8a: {  	s1 =	srdreg.scid  }
0x8b: {  	s0 =	sand.u32 $0x1, s1  }
0x8c: {  	s17 =	sshll.u32 s0, $0xA;
	s2 =	sadd.s32 s3, s2  }
0x8d: {  	s2 =	sadd.s32 s2, s17  }
0x8e: {  	[smem:$0x3FC6] =	sst s2  }
0x8f: {  	_ = 	snop  }
0x90: {  	s2 =	sld [smem:$0x3FD0];
	(tm) =	ssettm $0x1  }
0x91: {  	s18 =	sld [smem:$0x3FFB];
	_ =	sdelay $0x3  }
0x92: {  	_ =	strace s18  }
0x93: {  	s3 =	sld [smem:$0x3FFC];
	_ =	sdelay $0x3  }
0x94: {  	_ =	strace s3  }
0x95: {  	s3 =	sld [smem:$0x3FFD];
	_ =	sdelay $0x3  }
0x96: {  	_ =	strace s3  }
0x97: {  	_ =	strace $0x8FFFFFFF  }
0x98: {  	s19 =	sld [smem:$0x3FDB];
	_ =	sdelay $0x1  }
0x99: {  	s4 =	simm.s32 $_scs_section_size  }
0x9a: {  	s5 =	simm.s32 $_size__tile_overlayer_lowered;
	s6 =	simm.s32 $_tile_overlayer_lowered  }
0x9b: {  	s22 =	simm.s32 $0x1BFF;
	s21 =	sshll.u32 s6, $0x1;
	s3 =	sadd.s32 s4, s19  }
0x9c: {  	s7 =	simm.s32 $0x0;
	s20 =	sshll.u32 s5, $0x1;
	s5 =	sadd.s32 s21, s3  }
0x9d: {  	[timem:s7], [sflag:s22] =	dma.local [hbm:s5], s20  }
0x9e: {  	_ =	swait.ge [sflag:s22], s20  }
0x9f: {  	s4 =	ssub.s32 $0x0, s20;
	[sflag:s22] =	ssyncset.done $0x0  }
0xa0: {  	[sflag:s22] =	ssyncadd.s32 s4;
	_ =	sdelay $0x1  }
0xa1: {  	s23 =	simm.s32 $0x1B8B  }
0xa2: {  	_ =	swait.ge [sflag:s23], $0x1  }
0xa3: {  	[sflag:s23] =	ssyncset.done $0x0  }
0xa4: {  	s25 =	simm.s32 $0x1B8E;
	s24 =	sld [smem:$0x3FFE];
	[sflag:s23] =	ssyncadd.s32 $0xFFFFFFFF  }
0xa5: {  	s26 =	simm.s32 $execute0_lowered;
	[smem:$0x3FD2] =	sst s25  }
0xa6: {  	s5 =	sshll.u32 s26, $0x1;
	_ =	strace $0x80000046;
	[dreg:$0x1] =	wrdreg $0xFFFFFFFF  }
0xa7: {  	s28 =	simm.s32 $_size_execute0_lowered;
	s3 =	sadd.s32 s3, s5;
	[dreg:$0x0] =	wrdreg $0x0  }
0xa8: {  	s5 =	sshll.u32 s28, $0x1;
	[dreg:$0x2] =	wrdreg s3  }
0xa9: {  	[dreg:$0x3] =	wrdreg s5  }
0xaa: {  	[dreg:$0x4] =	wrdreg $0xC0  }
0xab: {  	_ =	task [dreg:s7], $0x5FFFF  }
0xac: {  	[dreg:$0x1] =	wrdreg $0xFFFFFFFF  }
0xad: {  	[dreg:$0x0] =	wrdreg $0x60  }
0xae: {  	[dreg:$0x2] =	wrdreg s24  }
0xaf: {  	[dreg:$0x3] =	wrdreg s2  }
0xb0: {  	[dreg:$0x4] =	wrdreg $0x9  }
0xb1: {  	_ =	task.clear_ibuf [dreg:s7], $0x5FFFF;
	_ =	strace $0x90000046  }
0xb2: {  	s29 =	simm.s32 $0x9;
	_ =	strace $0x80000048  }
0xb3: {  	_ =	swait.ge [sflag:s29], $0x1  }
0xb4: {  	[sflag:s29] =	ssyncadd.s32 $0xFFFFFFFF  }
0xb5: {  	_ =	strace $0x90000048  }
0xb6: {  	_ =	sfence  }
0xb7: {  	s30 =	sld [smem:$0x0];
	_ =	sdelay $0x2  }
0xb8: {  	s31 =	sshll.u32 s1, $0xD;
	s1 =	sshrl.u32 s1, $0x2  }
0xb9: {  	s3 =	sand.u32 $0x4000, s31;
	s1 =	sadd.s32 s1, s30  }
0xba: {  	s0 =	sor.u32 s3, s0;
	s1 =	sshll.u32 s1, $0x11  }
0xbb: {  	s0 =	sor.u32 s1, s0  }
0xbc: {  	s0 =	sadd.s32 $0x8F2B, s0  }
0xbd: {  	[sflag:s0] =	ssyncadd.remote.s32 $0x1  }
0xbe: {  	_ =	sfence.sel $0xFFFF  }
0xbf: {  	[dreg:$0x0] =	wrdreg $0xFFFFFFFF;
	(pc) =	sbr.abs _section_cstart, $3  }
0xc0: {  	[dreg:$0x1] =	wrdreg $0xFFFFFFFF  }
0xc1: {  	_ =	task.clear_ibuf [dreg:s7], $0x2FFFF;
	_ =	strace $0x9FFFFFFF  }
0xc2: {  	(tm) =	ssettm $0x7FFFFFFF  }
0xc3: {  	_ =	shalt  }
tec
execute0_lowered:
.L_overlay_start_1:
0x0: {  	(tag) =	ssettag $0x1  }
0x1: {  	s0 =	rddreg [dreg:$0x0]  }
0x2: {  	s2 =	rddreg [dreg:$0x1]  }
0x3: {  	s1 =	srdreg.scid;
	s4 =	stileid.u32;
	s3 =	simm.s32 $0x0  }
0x4: {  	s11 =	simm.s32 $0x5;
	s12 =	simm.s32 $0x80;
	s13 =	simm.s32 $0x320  }
0x5: {  	s17 =	simm.s32 $0x10;
	s20 =	simm.s32 $0x190;
	s21 =	simm.s32 $0x6720  }
0x6: {  	s22 =	simm.s32 $0x210;
	s23 =	simm.s32 $0x8720;
	s24 =	simm.s32 $0x290  }
0x7: {  	s28 =	simm.s32 $0xC720;
	s29 =	simm.s32 $0x1;
	s30 =	simm.s32 $0x3520  }
0x8: {  	s31 =	simm.s32 $0x3;
	s15 =	simm.s32 $0x0;
	s1 =	sand.u32 $0x1, s1  }
0x9: {  	s4 =	sshll.u32 s4, $0x1;
	[smem:$0x7FF] =	sst s3;
	s5 =	sadd.s32 $0xF42E00, s0  }
0xa: {  	s6 =	sor.u32 s1, s4;
	_ =	strace $0x80000047;
	s1 =	ssub.s32 $0x2, s1  }
0xb: {  	s7 =	smul.u32 $0xC80, s6;
	s25 =	sshrl.u32 s1, $0x1;
	s6 =	sshll.u32 s6, $0x7  }
0xc: {  	s4 =	sadd.s32 $0xA00, s0;
	s0 =	ssub.s32 s1, s25;
	s8 =	sor.u32 $0x2, s6  }
0xd: {  	s9 =	sor.u32 $0x4, s6;
	s25 =	simm.s32 $0xA720;
	s26 =	sadd.s32 s4, s7  }
0xe: {  	s1 =	simm.s32 $0x9920;
	s0 =	smax.u32 s0, $0x1;
	[dreg:$0x3] =	wrdreg s26  }
0xf: {  	[dreg:$0x4] =	wrdreg s0;
	s26 =	simm.s32 $0x310;
	s0 =	simm.s32 $0x2  }
.LBB2_1:
0x10: {  	s7 =	rddreg [dreg:$0x3]  }
0x11: {  	[tilespmem:s3], [sflag:$0x5] =	stream.linear.gather [hbm4b:s7+s3], $0x190, $0x38;
	[tilespmem:$0xCB20] =	vst v63  }
0x12: {  	_ =	swait.ge [sflag:s11], $0x190  }
0x13: {  	[sflag:s11] =	ssyncset.done $0x0  }
0x14: {  	[sflag:s11] =	ssyncadd.s32 $0xFFFFFE70  }
0x15: {  	[tilespmem:s13], [sflag:$0x1] =	stream.indirect.gather [hbm4b:s5+s12], $0x40, s3, s12, $0xb8;
	[tilespmem:$0xCB20] =	vst v63  }
0x16: {  	s14 =	simm.s32 $0x2320  }
0x17: {  	[tilespmem:s14], [sflag:$0x1] =	stream.indirect.gather [hbm4b:s5+s12], $0x40, s12, s12, $0xb8;
	[tilespmem:$0xCB20] =	vst v63  }
0x18: {  	s16 =	simm.s32 $0x100;
	s10 =	simm.s32 $0x4320  }
0x19: {  	[tilespmem:s10], [sflag:$0x1] =	stream.indirect.gather [hbm4b:s5+s12], $0x40, s16, s12, $0xb8;
	[tilespmem:$0xCB20] =	vst v63  }
0x1a: {  	s18 =	simm.s32 $0x180;
	s19 =	simm.s32 $0x6320;
	s16 =	simm.s32 $0x0  }
0x1b: {  	[tilespmem:s19], [sflag:$0x1] =	stream.indirect.gather [hbm4b:s5+s17], $0x40, s18, s17, $0xb8;
	[tilespmem:$0xCB20] =	vst v63  }
.LBB2_2:
0x1c: {  	p0 =	seq.s32 s16, $0x0  }
0x1d: {  	s7 =	simm.s32 @!p0 $0x4  }
0x1e: {  	_ =	swait.ge @!p0 [sflag:s7], $0x3200  }
0x1f: {  	s19 =	sshll.u32 s16, $0x2;
	[sflag:s7] =	ssyncset.done @!p0 $0x0  }
0x20: {  	s18 =	sadd.s32 s8, s19;
	[sflag:s7] =	ssyncadd.s32 @!p0 $0xFFFFCE00  }
0x21: {  	s10 =	smul.u32 $0x19, s18;
	_ =	swait.ge @!p0 [sflag:s7], $0x3200  }
0x22: {  	[sflag:s7] =	ssyncset.done @!p0 $0x0  }
0x23: {  	s14 =	sadd.s32 s4, s10;
	[sflag:s7] =	ssyncadd.s32 @!p0 $0xFFFFCE00  }
0x24: {  	[tilespmem:s20], [sflag:$0x5] =	stream.linear.gather [hbm4b:s14+s3], $0x190, $0x38;
	[tilespmem:$0xCB20] =	vst v63  }
0x25: {  	_ =	swait.ge [sflag:s11], $0x190  }
0x26: {  	[sflag:s11] =	ssyncset.done $0x0  }
0x27: {  	[sflag:s11] =	ssyncadd.s32 $0xFFFFFE70  }
0x28: {  	[tilespmem:s21], [sflag:$0x2] =	stream.indirect.gather [hbm4b:s5+s12], $0x40, s20, s12, $0xb8;
	[tilespmem:$0xCB20] =	vst v63  }
0x29: {  	_ = 	snop  }
0x2a: {  	[tilespmem:s23], [sflag:$0x2] =	stream.indirect.gather [hbm4b:s5+s12], $0x40, s22, s12, $0xb8;
	[tilespmem:$0xCB20] =	vst v63  }
0x2b: {  	_ = 	snop  }
0x2c: {  	[tilespmem:s25], [sflag:$0x2] =	stream.indirect.gather [hbm4b:s5+s12], $0x40, s24, s12, $0xb8;
	[tilespmem:$0xCB20] =	vst v63  }
0x2d: {  	_ = 	snop  }
0x2e: {  	[tilespmem:s28], [sflag:$0x2] =	stream.indirect.gather [hbm4b:s5+s17], $0x40, s26, s17, $0xb8;
	[tilespmem:$0xCB20] =	vst v63  }
0x2f: {  	_ =	swait.ge [sflag:s29], $0x6400  }
0x30: {  	[sflag:s29] =	ssyncset.done $0x0  }
0x31: {  	s7 =	simm.s32 $0x3A0;
	[sflag:s29] =	ssyncadd.s32 $0xFFFF9C00  }
0x32: {  	v0 =	vld [tilespmem:s7+$0x70]  }
0x33: {  	v1 =	vld [tilespmem:s7+$0xFFFFFF90]  }
0x34: {  	v2 =	vld [tilespmem:s7+$0xFFFFFFA0]  }
0x35: {  	v3 =	vld [tilespmem:s7+$0xFFFFFFB0]  }
0x36: {  	v4 =	vld [tilespmem:s7+$0xFFFFFFC0]  }
0x37: {  	v5 =	vld [tilespmem:s7+$0xFFFFFFD0];
	v0 =	vmul.f32 $8.000000000e+00, v0  }
0x38: {  	v6 =	vld [tilespmem:s7+$0xFFFFFFE0];
	v1 =	vmul.f32 $8.000000000e+00, v1  }
0x39: {  	v7 =	vld [tilespmem:s7+$0xFFFFFFF0];
	v2 =	vmul.f32 $8.000000000e+00, v2;
	[tilespmem:s7+$0x70] =	vst v0  }
0x3a: {  	[tilespmem:s7+$0xFFFFFF90] =	vst v1;
	v0 =	vmul.f32 $8.000000000e+00, v3;
	v3 =	vld [tilespmem:s7+$0x0]  }
0x3b: {  	[tilespmem:s7+$0xFFFFFFA0] =	vst v2;
	v1 =	vmul.f32 $8.000000000e+00, v4;
	v4 =	vld [tilespmem:s7+$0x10]  }
0x3c: {  	v8 =	vld [tilespmem:s7+$0x20];
	v2 =	vmul.f32 $8.000000000e+00, v5;
	[tilespmem:s7+$0xFFFFFFB0] =	vst v0  }
0x3d: {  	v5 =	vmul.f32 $8.000000000e+00, v6;
	[tilespmem:s7+$0xFFFFFFC0] =	vst v1;
	v0 =	vld [tilespmem:s7+$0x30]  }
0x3e: {  	v6 =	vmul.f32 $8.000000000e+00, v7;
	[tilespmem:s7+$0xFFFFFFD0] =	vst v2;
	v1 =	vld [tilespmem:s7+$0x40]  }
0x3f: {  	[tilespmem:s7+$0xFFFFFFE0] =	vst v5;
	v2 =	vld [tilespmem:s7+$0x50];
	v7 =	vmul.f32 $8.000000000e+00, v3  }
0x40: {  	[tilespmem:s7+$0xFFFFFFF0] =	vst v6;
	v3 =	vld [tilespmem:s7+$0x60];
	v5 =	vmul.f32 $8.000000000e+00, v4  }
0x41: {  	s10 =	simm.s32 $0x0;
	s14 =	simm.s32 $0x4A0;
	v6 =	vmul.f32 $8.000000000e+00, v8;
	v4 =	vld [tilespmem:s7+$0xFFFFFF80];
	[tilespmem:s7+$0x0] =	vst v7  }
.LBB2_3:
0x42: {  	v7 =	vld [tilespmem:s14+$0x70];
	s10 =	sadd.s32 $0x4, s10;
	[tilespmem:s7+$0x10] =	vst v5;
	v0 =	vmul.f32 $8.000000000e+00, v0  }
0x43: {  	v5 =	vld [tilespmem:s14+$0xFFFFFF90];
	p0 =	slt.u32 s10, $0x18C;
	[tilespmem:s7+$0x20] =	vst v6;
	v1 =	vmul.f32 $8.000000000e+00, v1  }
0x44: {  	v6 =	vld [tilespmem:s14+$0xFFFFFFA0];
	[tilespmem:s7+$0x30] =	vst v0;
	v0 =	vmul.f32 $8.000000000e+00, v2  }
0x45: {  	v2 =	vld [tilespmem:s14+$0xFFFFFFB0];
	[tilespmem:s7+$0x40] =	vst v1;
	v1 =	vmul.f32 $8.000000000e+00, v3  }
0x46: {  	v3 =	vld [tilespmem:s14+$0xFFFFFFC0];
	v4 =	vmul.f32 $8.000000000e+00, v4;
	[tilespmem:s7+$0x50] =	vst v0  }
0x47: {  	v0 =	vld [tilespmem:s14+$0xFFFFFFD0];
	v7 =	vmul.f32 $8.000000000e+00, v7;
	[tilespmem:s7+$0x60] =	vst v1  }
0x48: {  	v1 =	vmul.f32 $8.000000000e+00, v5;
	v5 =	vld [tilespmem:s14+$0xFFFFFFE0];
	[tilespmem:s7+$0xFFFFFF80] =	vst v4;
	s7 =	smov.u32 s14  }
0x49: {  	v4 =	vmul.f32 $8.000000000e+00, v6;
	v6 =	vld [tilespmem:s14+$0xFFFFFFF0];
	[tilespmem:s14+$0x70] =	vst v7  }
0x4a: {  	[tilespmem:s14+$0xFFFFFF90] =	vst v1;
	v1 =	vmul.f32 $8.000000000e+00, v2;
	v2 =	vld [tilespmem:s14+$0x0]  }
0x4b: {  	[tilespmem:s14+$0xFFFFFFA0] =	vst v4;
	v3 =	vmul.f32 $8.000000000e+00, v3;
	v4 =	vld [tilespmem:s14+$0x10]  }
0x4c: {  	[tilespmem:s14+$0xFFFFFFB0] =	vst v1;
	v1 =	vmul.f32 $8.000000000e+00, v0;
	v7 =	vld [tilespmem:s14+$0x20]  }
.Ltmp0:
0x4d: {  	[tilespmem:s14+$0xFFFFFFC0] =	vst v3;
	v3 =	vmul.f32 $8.000000000e+00, v5;
	v0 =	vld [tilespmem:s14+$0x30];
	(pc) =	sbr.rel @p0 .LBB2_3-.Ltmp0, $4  }
0x4e: {  	[tilespmem:s14+$0xFFFFFFD0] =	vst v1;
	v5 =	vmul.f32 $8.000000000e+00, v6;
	v1 =	vld [tilespmem:s14+$0x40]  }
0x4f: {  	[tilespmem:s14+$0xFFFFFFE0] =	vst v3;
	v6 =	vmul.f32 $8.000000000e+00, v2;
	v2 =	vld [tilespmem:s14+$0x50]  }
0x50: {  	[tilespmem:s14+$0xFFFFFFF0] =	vst v5;
	v5 =	vmul.f32 $8.000000000e+00, v4;
	v3 =	vld [tilespmem:s14+$0x60]  }
0x51: {  	s14 =	sadd.s32 $0x100, s14;
	v4 =	vld [tilespmem:s7+$0xFFFFFF80];
	[tilespmem:s7+$0x0] =	vst v6;
	v6 =	vmul.f32 $8.000000000e+00, v7  }
0x52: {  	[tilespmem:s7+$0x10] =	vst v5;
	v0 =	vmul.f32 $8.000000000e+00, v0  }
0x53: {  	[tilespmem:s7+$0x20] =	vst v6;
	v1 =	vmul.f32 $8.000000000e+00, v1  }
0x54: {  	[tilespmem:s7+$0x30] =	vst v0;
	v0 =	vmul.f32 $8.000000000e+00, v2  }
0x55: {  	s10 =	sor.u32 s6, s19;
	[tilespmem:s7+$0x40] =	vst v1;
	v1 =	vmul.f32 $8.000000000e+00, v3  }
0x56: {  	s14 =	smul.u32 $0x640, s10;
	v2 =	vmul.f32 $8.000000000e+00, v4;
	[tilespmem:s7+$0x50] =	vst v0  }
0x57: {  	[tilespmem:s7+$0x60] =	vst v1  }
0x58: {  	s10 =	smul.u32 $0x3200, s10;
	s14 =	sadd.s32 s2, s14;
	[tilespmem:s7+$0xFFFFFF80] =	vst v2  }
0x59: {  	[hbm4b:s14+s3] =	stream.linear.scatter [tilespmem:s13], [sflag:$0x3], $0x3200, $0x38;
	[tilespmem:$0xCB20] =	vst v63  }
0x5a: {  	s14 =	sshrl.u32 s10, $0x3  }
0x5b: {  	s7 =	sadd.s32 s2, s14  }
0x5c: {  	s7 =	sadd.s32 $0x640, s7  }
0x5d: {  	[hbm4b:s7+s3] =	stream.linear.scatter [tilespmem:s30], [sflag:$0x3], $0x3200, $0x38;
	[tilespmem:$0xCB20] =	vst v63  }
0x5e: {  	_ =	swait.ge [sflag:s31], $0x3200  }
0x5f: {  	p0 =	seq.s32 s16, $0x1F;
	[sflag:s31] =	ssyncset.done $0x0  }
0x60: {  	s7 =	sadd.s32 @!p0 s19, s9;
	[sflag:s31] =	ssyncadd.s32 $0xFFFFCE00  }
0x61: {  	s7 =	smul.u32 @!p0 $0x19, s7;
	_ =	swait.ge [sflag:s31], $0x3200  }
0x62: {  	[sflag:s31] =	ssyncset.done $0x0  }
0x63: {  	s10 =	simm.s32 @!p0 $0x0;
	s7 =	sadd.s32 @!p0 s4, s7;
	[sflag:s31] =	ssyncadd.s32 $0xFFFFCE00  }
0x64: {  	[tilespmem:s10], [sflag:$0x5] =	stream.linear.gather @!p0 [hbm4b:s7+s10], $0x190, $0x38;
	[tilespmem:$0xCB20] =	vst v63  }
0x65: {  	s7 =	simm.s32 @!p0 $0x5  }
0x66: {  	_ =	swait.ge @!p0 [sflag:s7], $0x190  }
0x67: {  	[sflag:s7] =	ssyncset.done @!p0 $0x0  }
0x68: {  	s14 =	simm.s32 @!p0 $0x320;
	[sflag:s7] =	ssyncadd.s32 @!p0 $0xFFFFFE70;
	s7 =	simm.s32 @!p0 $0x80  }
0x69: {  	[tilespmem:s14], [sflag:$0x1] =	stream.indirect.gather @!p0 [hbm4b:s5+s7], $0x40, s10, s7, $0xb8;
	[tilespmem:$0xCB20] =	vst v63  }
0x6a: {  	s10 =	simm.s32 @!p0 $0x2320  }
0x6b: {  	[tilespmem:s10], [sflag:$0x1] =	stream.indirect.gather @!p0 [hbm4b:s5+s7], $0x40, s7, s7, $0xb8;
	[tilespmem:$0xCB20] =	vst v63  }
0x6c: {  	s14 =	simm.s32 @!p0 $0x4320;
	s10 =	simm.s32 @!p0 $0x100  }
0x6d: {  	[tilespmem:s14], [sflag:$0x1] =	stream.indirect.gather @!p0 [hbm4b:s5+s7], $0x40, s10, s7, $0xb8;
	[tilespmem:$0xCB20] =	vst v63  }
0x6e: {  	s7 =	simm.s32 @!p0 $0x10;
	s10 =	simm.s32 @!p0 $0x180;
	s14 =	simm.s32 @!p0 $0x6320  }
0x6f: {  	[tilespmem:s14], [sflag:$0x1] =	stream.indirect.gather @!p0 [hbm4b:s5+s7], $0x40, s10, s7, $0xb8;
	[tilespmem:$0xCB20] =	vst v63  }
0x70: {  	_ =	swait.ge [sflag:s0], $0x6400  }
0x71: {  	[sflag:s0] =	ssyncset.done $0x0  }
0x72: {  	s7 =	simm.s32 $0x67A0;
	[sflag:s0] =	ssyncadd.s32 $0xFFFF9C00  }
0x73: {  	v0 =	vld [tilespmem:s7+$0x70]  }
0x74: {  	v1 =	vld [tilespmem:s7+$0xFFFFFF90]  }
0x75: {  	v2 =	vld [tilespmem:s7+$0xFFFFFFA0]  }
0x76: {  	v3 =	vld [tilespmem:s7+$0xFFFFFFB0]  }
0x77: {  	v4 =	vld [tilespmem:s7+$0xFFFFFFC0]  }
0x78: {  	v5 =	vld [tilespmem:s7+$0xFFFFFFD0];
	v0 =	vmul.f32 $8.000000000e+00, v0  }
0x79: {  	v6 =	vld [tilespmem:s7+$0xFFFFFFE0];
	v1 =	vmul.f32 $8.000000000e+00, v1  }
0x7a: {  	v7 =	vld [tilespmem:s7+$0xFFFFFFF0];
	v2 =	vmul.f32 $8.000000000e+00, v2;
	[tilespmem:s7+$0x70] =	vst v0  }
0x7b: {  	[tilespmem:s7+$0xFFFFFF90] =	vst v1;
	v0 =	vmul.f32 $8.000000000e+00, v3;
	v3 =	vld [tilespmem:s7+$0x0]  }
0x7c: {  	[tilespmem:s7+$0xFFFFFFA0] =	vst v2;
	v1 =	vmul.f32 $8.000000000e+00, v4;
	v4 =	vld [tilespmem:s7+$0x10]  }
0x7d: {  	v8 =	vld [tilespmem:s7+$0x20];
	v2 =	vmul.f32 $8.000000000e+00, v5;
	[tilespmem:s7+$0xFFFFFFB0] =	vst v0  }
0x7e: {  	v5 =	vmul.f32 $8.000000000e+00, v6;
	[tilespmem:s7+$0xFFFFFFC0] =	vst v1;
	v0 =	vld [tilespmem:s7+$0x30]  }
0x7f: {  	v6 =	vmul.f32 $8.000000000e+00, v7;
	[tilespmem:s7+$0xFFFFFFD0] =	vst v2;
	v1 =	vld [tilespmem:s7+$0x40]  }
0x80: {  	[tilespmem:s7+$0xFFFFFFE0] =	vst v5;
	v2 =	vld [tilespmem:s7+$0x50];
	v7 =	vmul.f32 $8.000000000e+00, v3  }
0x81: {  	[tilespmem:s7+$0xFFFFFFF0] =	vst v6;
	v3 =	vld [tilespmem:s7+$0x60];
	v5 =	vmul.f32 $8.000000000e+00, v4  }
0x82: {  	s10 =	simm.s32 $0x0;
	s14 =	simm.s32 $0x68A0;
	v6 =	vmul.f32 $8.000000000e+00, v8;
	v4 =	vld [tilespmem:s7+$0xFFFFFF80];
	[tilespmem:s7+$0x0] =	vst v7  }
.LBB2_5:
0x83: {  	v7 =	vld [tilespmem:s14+$0x70];
	s10 =	sadd.s32 $0x4, s10;
	[tilespmem:s7+$0x10] =	vst v5;
	v0 =	vmul.f32 $8.000000000e+00, v0  }
0x84: {  	v5 =	vld [tilespmem:s14+$0xFFFFFF90];
	p0 =	slt.u32 s10, $0x18C;
	[tilespmem:s7+$0x20] =	vst v6;
	v1 =	vmul.f32 $8.000000000e+00, v1  }
0x85: {  	v6 =	vld [tilespmem:s14+$0xFFFFFFA0];
	[tilespmem:s7+$0x30] =	vst v0;
	v0 =	vmul.f32 $8.000000000e+00, v2  }
0x86: {  	v2 =	vld [tilespmem:s14+$0xFFFFFFB0];
	[tilespmem:s7+$0x40] =	vst v1;
	v1 =	vmul.f32 $8.000000000e+00, v3  }
0x87: {  	v3 =	vld [tilespmem:s14+$0xFFFFFFC0];
	v4 =	vmul.f32 $8.000000000e+00, v4;
	[tilespmem:s7+$0x50] =	vst v0  }
0x88: {  	v0 =	vld [tilespmem:s14+$0xFFFFFFD0];
	v7 =	vmul.f32 $8.000000000e+00, v7;
	[tilespmem:s7+$0x60] =	vst v1  }
0x89: {  	v1 =	vmul.f32 $8.000000000e+00, v5;
	v5 =	vld [tilespmem:s14+$0xFFFFFFE0];
	[tilespmem:s7+$0xFFFFFF80] =	vst v4;
	s7 =	smov.u32 s14  }
0x8a: {  	v4 =	vmul.f32 $8.000000000e+00, v6;
	v6 =	vld [tilespmem:s14+$0xFFFFFFF0];
	[tilespmem:s14+$0x70] =	vst v7  }
0x8b: {  	[tilespmem:s14+$0xFFFFFF90] =	vst v1;
	v1 =	vmul.f32 $8.000000000e+00, v2;
	v2 =	vld [tilespmem:s14+$0x0]  }
0x8c: {  	[tilespmem:s14+$0xFFFFFFA0] =	vst v4;
	v3 =	vmul.f32 $8.000000000e+00, v3;
	v4 =	vld [tilespmem:s14+$0x10]  }
0x8d: {  	[tilespmem:s14+$0xFFFFFFB0] =	vst v1;
	v1 =	vmul.f32 $8.000000000e+00, v0;
	v7 =	vld [tilespmem:s14+$0x20]  }
.Ltmp1:
0x8e: {  	[tilespmem:s14+$0xFFFFFFC0] =	vst v3;
	v3 =	vmul.f32 $8.000000000e+00, v5;
	v0 =	vld [tilespmem:s14+$0x30];
	(pc) =	sbr.rel @p0 .LBB2_5-.Ltmp1, $4  }
0x8f: {  	[tilespmem:s14+$0xFFFFFFD0] =	vst v1;
	v5 =	vmul.f32 $8.000000000e+00, v6;
	v1 =	vld [tilespmem:s14+$0x40]  }
0x90: {  	[tilespmem:s14+$0xFFFFFFE0] =	vst v3;
	v6 =	vmul.f32 $8.000000000e+00, v2;
	v2 =	vld [tilespmem:s14+$0x50]  }
0x91: {  	[tilespmem:s14+$0xFFFFFFF0] =	vst v5;
	v5 =	vmul.f32 $8.000000000e+00, v4;
	v3 =	vld [tilespmem:s14+$0x60]  }
0x92: {  	s14 =	sadd.s32 $0x100, s14;
	v4 =	vld [tilespmem:s7+$0xFFFFFF80];
	[tilespmem:s7+$0x0] =	vst v6;
	v6 =	vmul.f32 $8.000000000e+00, v7  }
0x93: {  	[tilespmem:s7+$0x10] =	vst v5;
	v0 =	vmul.f32 $8.000000000e+00, v0  }
0x94: {  	[tilespmem:s7+$0x20] =	vst v6;
	v1 =	vmul.f32 $8.000000000e+00, v1  }
0x95: {  	s10 =	smul.u32 $0x640, s18;
	[tilespmem:s7+$0x30] =	vst v0;
	v61 =	vmul.f32 $8.000000000e+00, v2  }
0x96: {  	s18 =	smul.u32 $0x3200, s18;
	s16 =	sadd.s32 $0x1, s16;
	[tilespmem:s7+$0x40] =	vst v1;
	v62 =	vmul.f32 $8.000000000e+00, v3  }
0x97: {  	p0 =	sne.s32 s16, $0x20;
	v63 =	vmul.f32 $8.000000000e+00, v4;
	[tilespmem:s7+$0x50] =	vst v61  }
.Ltmp2:
0x98: {  	s19 =	sshrl.u32 s18, $0x3;
	[tilespmem:s7+$0x60] =	vst v62;
	(pc) =	sbr.rel @p0 .LBB2_2-.Ltmp2, $4  }
0x99: {  	s14 =	sadd.s32 s2, s10;
	[tilespmem:s7+$0xFFFFFF80] =	vst v63;
	s7 =	sadd.s32 s2, s19  }
0x9a: {  	[hbm4b:s14+s3] =	stream.linear.scatter [tilespmem:s21], [sflag:$0x4], $0x3200, $0x38;
	[tilespmem:$0xCB20] =	vst v63  }
0x9b: {  	s7 =	sadd.s32 $0x640, s7  }
0x9c: {  	[hbm4b:s7+s3] =	stream.linear.scatter [tilespmem:s1], [sflag:$0x4], $0x3200, $0x38;
	[tilespmem:$0xCB20] =	vst v63  }
0x9d: {  	s10 =	simm.s32 $0x4  }
0x9e: {  	_ =	swait.ge [sflag:s10], $0x3200  }
0x9f: {  	[sflag:s10] =	ssyncset.done $0x0  }
0xa0: {  	[sflag:s10] =	ssyncadd.s32 $0xFFFFCE00  }
0xa1: {  	_ =	swait.ge [sflag:s10], $0x3200  }
0xa2: {  	s15 =	sadd.s32 $0x1, s15;
	s7 =	rddreg [dreg:$0x4]  }
0xa3: {  	p0 =	sne.s32 s15, s7  }
.Ltmp3:
0xa4: {  	_ = 	snop;
	(pc) =	sbr.rel @p0 .LBB2_1-.Ltmp3, $3  }
0xa5: {  	_ =	sdelay $0x1  }
0xa6: {  	[sflag:s10] =	ssyncset.done $0x0  }
0xa7: {  	[sflag:s10] =	ssyncadd.s32 $0xFFFFCE00  }
0xa8: {  	_ =	sfence.sel $0x180000  }
0xa9: {  	[bflag:$0x0] =	sbarrier.arrive $0xFFFF  }
0xaa: {  	_ =	strace $0x90000047  }
0xab: {  	s0 =	stileid.u32;
	[bflag:$0x2] =	sbarrier.arrive $0xFFFF  }
0xac: {  	p0 =	sne.s32 s0, $0x0;
	s0 =	rddreg [dreg:$0x2]  }
0xad: {  	s0 =	sadd.s32 @!p0 $0x100000, s0  }
0xae: {  	[sflag:s0] =	ssyncadd.tile.s32 @!p0 $0x1;
	_ =	shalt  }
.Lfunc_end2:
_tile_overlayer_lowered:
.L_overlay_start_2:
0xaf: {  	(tag) =	ssettag $0x2  }
0xb0: {  	s0 =	rddreg [dreg:$0x0];
	s2 =	stileid.u32  }
0xb1: {  	s1 =	rddreg [dreg:$0x1];
	p0 =	sne.s32 s2, $0x0  }
0xb2: {  	s3 =	rddreg [dreg:$0x2];
	[bflag:$0x3] =	sbarrier.arrive $0xFFFF;
	s2 =	simm.s32 @!p0 $0x1C05  }
0xb3: {  	[timem:s3], [sflag:s2] =	dma.local @!p0 [hbm:s0], s1  }
0xb4: {  	s0 =	simm.s32 @!p0 $0x5  }
0xb5: {  	_ =	swait.ge @!p0 [sflag:s0], s1  }
0xb6: {  	s1 =	ssub.s32 @!p0 $0x0, s1;
	[sflag:s0] =	ssyncset.done @!p0 $0x0  }
0xb7: {  	[sflag:s0] =	ssyncadd.s32 @!p0 s1  }
0xb8: {  	[bflag:$0x3] =	sbarrier.arrive $0xFFFF  }
0xb9: {  	_ =	shalt  }

// kernel: sparse-core-data-format-call.cloned.1.call-start
scs
called_computation_lowered:
.L_overlay_start_0:
0x0: {  	s2 =	sld [smem:$0x3FD9]  }
0x1: {  	s3 =	sld [smem:$0x3FFE];
	_ =	sdelay $0x1  }
0x2: {  	s1 =	srdreg.scid  }
0x3: {  	s0 =	sand.u32 $0x1, s1  }
0x4: {  	s18 =	sshll.u32 s0, $0xA;
	s2 =	sadd.s32 s3, s2  }
0x5: {  	s2 =	sadd.s32 s2, s18  }
0x6: {  	[smem:$0x3FC6] =	sst s2  }
0x7: {  	_ = 	snop  }
0x8: {  	s2 =	sld [smem:$0x3FD0];
	(tm) =	ssettm $0x1  }
0x9: {  	s19 =	sld [smem:$0x3FFB];
	_ =	sdelay $0x3  }
0xa: {  	_ =	strace s19  }
0xb: {  	s3 =	sld [smem:$0x3FFC];
	_ =	sdelay $0x3  }
0xc: {  	_ =	strace s3  }
0xd: {  	s3 =	sld [smem:$0x3FFD];
	_ =	sdelay $0x3  }
0xe: {  	_ =	strace s3  }
0xf: {  	_ =	strace $0x8FFFFFFF  }
0x10: {  	s20 =	sld [smem:$0x3FDB];
	_ =	sdelay $0x1  }
0x11: {  	s4 =	simm.s32 $_scs_section_size  }
0x12: {  	s5 =	simm.s32 $_size__tile_overlayer_lowered;
	s6 =	simm.s32 $_tile_overlayer_lowered  }
0x13: {  	s23 =	simm.s32 $0x1BFF;
	s22 =	sshll.u32 s6, $0x1;
	s3 =	sadd.s32 s4, s20  }
0x14: {  	s7 =	simm.s32 $0x0;
	s21 =	sshll.u32 s5, $0x1;
	s5 =	sadd.s32 s22, s3  }
0x15: {  	[timem:s7], [sflag:s23] =	dma.local [hbm:s5], s21  }
0x16: {  	_ =	swait.ge [sflag:s23], s21  }
0x17: {  	s4 =	ssub.s32 $0x0, s21;
	[sflag:s23] =	ssyncset.done $0x0  }
0x18: {  	[sflag:s23] =	ssyncadd.s32 s4;
	_ =	sdelay $0x1  }
0x19: {  	s24 =	simm.s32 $0x1B8B  }
0x1a: {  	_ =	swait.ge [sflag:s24], $0x1  }
0x1b: {  	[sflag:s24] =	ssyncset.done $0x0  }
0x1c: {  	s26 =	simm.s32 $0x1B8E;
	s25 =	sld [smem:$0x3FFE];
	[sflag:s24] =	ssyncadd.s32 $0xFFFFFFFF  }
0x1d: {  	s27 =	simm.s32 $execute0_lowered;
	[smem:$0x3FD2] =	sst s26  }
0x1e: {  	s5 =	sshll.u32 s27, $0x1;
	_ =	strace $0x80000049;
	[dreg:$0x1] =	wrdreg $0xFFFFFFFF  }
0x1f: {  	s28 =	simm.s32 $_size_execute0_lowered;
	s3 =	sadd.s32 s3, s5;
	[dreg:$0x0] =	wrdreg $0x0  }
0x20: {  	s5 =	sshll.u32 s28, $0x1;
	[dreg:$0x2] =	wrdreg s3  }
0x21: {  	[dreg:$0x3] =	wrdreg s5  }
0x22: {  	[dreg:$0x4] =	wrdreg $0xC0  }
0x23: {  	_ =	task [dreg:s7], $0x5FFFF  }
0x24: {  	[dreg:$0x1] =	wrdreg $0xFFFFFFFF  }
0x25: {  	[dreg:$0x0] =	wrdreg $0x60  }
0x26: {  	[dreg:$0x2] =	wrdreg s25  }
0x27: {  	[dreg:$0x3] =	wrdreg s2  }
0x28: {  	[dreg:$0x4] =	wrdreg $0x9  }
0x29: {  	_ =	task.clear_ibuf [dreg:s7], $0x5FFFF;
	_ =	strace $0x90000049  }
0x2a: {  	s29 =	simm.s32 $0x9;
	_ =	strace $0x8000004B  }
0x2b: {  	_ =	swait.ge [sflag:s29], $0x1  }
0x2c: {  	[sflag:s29] =	ssyncadd.s32 $0xFFFFFFFF  }
0x2d: {  	_ =	strace $0x9000004B  }
0x2e: {  	_ =	sfence  }
0x2f: {  	s30 =	sld [smem:$0x0];
	_ =	sdelay $0x2  }
0x30: {  	s31 =	sshll.u32 s1, $0xD;
	s1 =	sshrl.u32 s1, $0x2  }
0x31: {  	s3 =	sand.u32 $0x4000, s31;
	s1 =	sadd.s32 s1, s30  }
0x32: {  	s0 =	sor.u32 s3, s0;
	s1 =	sshll.u32 s1, $0x11  }
0x33: {  	s0 =	sor.u32 s1, s0  }
0x34: {  	s0 =	sadd.s32 $0x8F2B, s0  }
0x35: {  	[sflag:s0] =	ssyncadd.remote.s32 $0x1  }
0x36: {  	_ =	sfence.sel $0xFFFF  }
0x37: {  	[dreg:$0x0] =	wrdreg $0xFFFFFFFF;
	(pc) =	sbr.abs _section_cstart, $3  }
0x38: {  	[dreg:$0x1] =	wrdreg $0xFFFFFFFF  }
0x39: {  	_ =	task.clear_ibuf [dreg:s7], $0x2FFFF;
	_ =	strace $0x9FFFFFFF  }
0x3a: {  	(tm) =	ssettm $0x7FFFFFFF  }
0x3b: {  	_ =	shalt  }
tec
execute0_lowered:
.L_overlay_start_1:
0x0: {  	(tag) =	ssettag $0x1  }
0x1: {  	s0 =	srdreg.scid  }
0x2: {  	s1 =	sshll.u32 s0, $0x4  }
0x3: {  	s0 =	stileid.u32;
	s1 =	sand.u32 $0x10, s1  }
0x4: {  	s1 =	sor.u32 s0, s1  }
0x5: {  	s6 =	rddreg [dreg:$0x0];
	s4 =	simm.s32 $0x1;
	s2 =	sshll.u32 s1, $0x7  }
0x6: {  	s7 =	simm.s32 $0x2;
	s12 =	simm.s32 $0x0;
	s1 =	ssub.s32 $0x1000, s2  }
0x7: {  	s8 =	simm.s32 $0x8000;
	s13 =	simm.s32 $0x0;
	s3 =	sand.u32 $0xF80, s1  }
0x8: {  	s9 =	simm.s32 $0x0;
	s5 =	sshrl.u32 s1, $0xC;
	p0 =	sne.s32 s3, $0x0  }
.Ltmp0:
0x9: {  	s1 =	rddreg [dreg:$0x2];
	s4 =	simm.s32 @!p0 $0x0;
	(pc) =	sbr.rel .LBB1_1-.Ltmp0, $4  }
0xa: {  	s11 =	simm.s32 $0x0;
	s3 =	rddreg [dreg:$0x1];
	s5 =	sadd.s32 s4, s5  }
0xb: {  	_ =	strace $0x8000004A;
	s4 =	simm.s32 $0x1;
	s5 =	smul.u32 $0xC8, s5  }
0xc: {  	s6 =	sadd.s32 $0xA00, s6;
	s10 =	smov.u32 s2;
	[sflag:s4] =	ssyncpa.u1 $0x0  }
0xd: {  	p0 =	por $0x0, $0x0;
	[sflag:s7] =	ssyncpa.u1 $0x0;
	s7 =	sor.u32 $0x1, s5  }
.LBB1_4:
0xe: {  	s16 =	sshll.u32 s13, $0x3;
	s17 =	sand.u32 $0x78, s13  }
0xf: {  	s30 =	sand.u32 $0x7E00, s13;
	s12 =	sshll.u32 s12, $0xF;
	s16 =	sand.u32 $0xC00, s16  }
0x10: {  	[tilespmem:s15+$0x810 ss:$0x81] =	vst.msk $0xffff, v2;
	s31 =	sand.u32 $0x7, s13;
	s16 =	sor.u32 s17, s16;
	s17 =	sadd.s32 s3, s30  }
0x11: {  	[tilespmem:s15+$0x1020 ss:$0x81] =	vst.msk $0xffff, v0;
	s13 =	sshll.u32 s31, $0x12;
	s12 =	sadd.s32 s12, s17;
	s16 =	sshrl.u32 s16, $0x3  }
0x12: {  	[tilespmem:s15+$0x0 ss:$0x81] =	vst.msk $0xffff, v1;
	s13 =	sor.u32 $0x400, s13;
	s12 =	sadd.s32 s16, s12  }
0x13: {  	[hbm4b:s12+s13] =	stream.strided.scatter [tilespmem:s14], [sflag:$0x2], $0x2000, s8, s13, $0x20;
	[tilespmem:$0x8080] =	vst v63  }
.LBB1_5:
0x14: {  	s14 =	sadd.s32 $0x1, s9  }
0x15: {  	s12 =	sadd.s32 $0x1000, s10;
	s16 =	smov.u32 s10;
	p2 =	sgt.s32 s14, $0xC7  }
0x16: {  	s16 =	smov.u32 @p2 s12  }
0x17: {  	s14 =	simm.s32 @p2 $0x0;
	p2 =	sgt.s32 s16, $0xFFF  }
0x18: {  	s16 =	smov.u32 @p2 s2;
	p2 =	sne.s32 s11, s7  }
.Ltmp1:
0x19: {  	p1 =	slt.u32 s11, $0x2;
	(pc) =	sbr.rel @!p2 .LBB1_6-.Ltmp1, $4  }
0x1a: {  	s15 =	simm.s32 @!p1 $0x2  }
0x1b: {  	s13 =	smov.u32 s10;
	p0 =	por !p0, !p0;
	_ =	swait.ge @!p1 [sflag:s15], $0x2000  }
0x1c: {  	s12 =	smov.u32 s9;
	[sflag:s15] =	ssyncset.done @!p1 $0x0;
	s9 =	smov.u32 s14  }
0x1d: {  	s11 =	sadd.s32 $0x1, s11;
	[sflag:s15] =	ssyncadd.s32 @!p1 $0xFFFFE000;
	s10 =	smov.u32 s16  }
.LBB1_1:
0x1e: {  	p1 =	sge.u32 s11, s5  }
0x1f: {  	s14 =	sand.u32 @!p1 $0x1FFFFFF, s9  }
0x20: {  	s15 =	smulhi.u32 @!p1 $0x147AE15, s14;
	_ =	sdelay $0x1  }
0x21: {  	s15 =	smul.u32 @!p1 $0xC8, s15  }
0x22: {  	s16 =	sxor.u32 @!p1 $0xFFFFFFFF, s11;
	s17 =	smul.u32 @!p1 $0xC80, s10  }
0x23: {  	s31 =	sadd.s32 $0xFFFFFFFF, s11;
	s16 =	sshll.u32 @!p1 s16, $0xD;
	s14 =	ssub.s32 @!p1 s14, s15  }
0x24: {  	s15 =	sand.u32 @!p1 $0x2000, s16;
	s16 =	sadd.s32 @!p1 s6, s17;
	s14 =	sshll.u32 @!p1 s14, $0x4  }
0x25: {  	s17 =	simm.s32 @!p1 $0x6400;
	s14 =	sadd.s32 @!p1 s14, s16;
	s16 =	simm.s32 @!p1 $0x40  }
0x26: {  	[tilespmem:s15], [sflag:$0x1] =	stream.strided.gather @!p1 [hbm4b:s14+s16], $0x2000, s17, s16, $0x38;
	[tilespmem:$0x8080] =	vst v63  }
0x27: {  	p1 =	sge.u32 s31, s5  }
.Ltmp2:
0x28: {  	_ = 	snop;
	(pc) =	sbr.rel @p1 .LBB1_5-.Ltmp2, $1  }
0x29: {  	_ =	sdelay $0x3  }
0x2a: {  	s14 =	simm.s32 $0x1  }
0x2b: {  	_ =	swait.ge [sflag:s4], $0x2000;
	s14 =	simm.s32 @!p0 $0x0  }
0x2c: {  	[sflag:s4] =	ssyncset.done $0x0;
	s15 =	sshll.u32 s14, $0xD  }
0x2d: {  	[sflag:s4] =	ssyncadd.s32 $0xFFFFE000;
	s18 =	sor.u32 $0x20, s15  }
0x2e: {  	s14 =	smul.u32 $0x8100, s14;
	v3 =	vld [tilespmem:s18+$0x10]  }
0x2f: {  	s30 =	sand.u32 $0x1, s11;
	v2 =	vld [tilespmem:s18+$0xFFFFFFF0]  }
0x30: {  	s15 =	smul.u32 $0x8100, s30;
	s14 =	sshrl.u32 s14, $0x2;
	v0 =	vld [tilespmem:s18+$0x0]  }
0x31: {  	v1 =	vld [tilespmem:s18+$0xFFFFFFE0];
	s16 =	sor.u32 $0x4000, s14  }
0x32: {  	s31 =	sshrl.u32 s15, $0x2;
	s15 =	sadd.s32 $0x0, s16  }
0x33: {  	s17 =	simm.s32 $0x4;
	s18 =	sadd.s32 $0x40, s18;
	s14 =	sor.u32 $0x4000, s31;
	[tilespmem:s15+$0x1830 ss:$0x81] =	vst.msk $0xffff, v3  }
.LBB1_3:
0x34: {  	v3 =	vld [tilespmem:s18+$0x10];
	p1 =	sne.s32 s17, $0x1FC;
	[tilespmem:s15+$0x810 ss:$0x81] =	vst.msk $0xffff, v2;
	s19 =	smov.u32 s17;
	s17 =	sadd.s32 $0x4, s17  }
.Ltmp3:
0x35: {  	v2 =	vld [tilespmem:s18+$0xFFFFFFF0];
	[tilespmem:s15+$0x1020 ss:$0x81] =	vst.msk $0xffff, v0;
	(pc) =	sbr.rel @p1 .LBB1_3-.Ltmp3, $4  }
0x36: {  	v0 =	vld [tilespmem:s18+$0x0];
	[tilespmem:s15+$0x0 ss:$0x81] =	vst.msk $0xffff, v1  }
0x37: {  	s15 =	sshra.s32 s19, $0x2;
	v1 =	vld [tilespmem:s18+$0xFFFFFFE0]  }
0x38: {  	s15 =	sadd.s32 s15, s16  }
0x39: {  	s18 =	sadd.s32 $0x40, s18;
	[tilespmem:s15+$0x1830 ss:$0x81] =	vst.msk $0xffff, v3  }
.Ltmp4:
0x3a: {  	_ = 	snop;
	(pc) =	sbr.rel .LBB1_4-.Ltmp4, $1  }
0x3b: {  	_ =	sdelay $0x3  }
.LBB1_6:
0x3c: {  	_ =	sfence.sel $0x180000  }
0x3d: {  	s2 =	simm.s32 $0x1;
	[bflag:$0x0] =	sbarrier.arrive $0xFFFF  }
0x3e: {  	s31 =	simm.s32 $0x2;
	[sflag:s2] =	ssyncpa.u1 $0x1  }
0x3f: {  	[sflag:s31] =	ssyncpa.u1 $0x1  }
0x40: {  	p0 =	sne.s32 s0, $0x0;
	_ =	strace $0x9000004A  }
0x41: {  	s0 =	sadd.s32 @!p0 $0x100000, s1;
	[bflag:$0x2] =	sbarrier.arrive $0xFFFF  }
0x42: {  	[sflag:s0] =	ssyncadd.tile.s32 @!p0 $0x1;
	_ =	shalt  }
.Lfunc_end1:
_tile_overlayer_lowered:
.L_overlay_start_2:
0x43: {  	(tag) =	ssettag $0x2  }
0x44: {  	s0 =	rddreg [dreg:$0x0];
	s2 =	stileid.u32  }
0x45: {  	s1 =	rddreg [dreg:$0x1];
	p0 =	sne.s32 s2, $0x0  }
0x46: {  	s3 =	rddreg [dreg:$0x2];
	[bflag:$0x3] =	sbarrier.arrive $0xFFFF;
	s2 =	simm.s32 @!p0 $0x1C01  }
0x47: {  	[timem:s3], [sflag:s2] =	dma.local @!p0 [hbm:s0], s1  }
0x48: {  	s0 =	simm.s32 @!p0 $0x1  }
0x49: {  	_ =	swait.ge @!p0 [sflag:s0], s1  }
0x4a: {  	s1 =	ssub.s32 @!p0 $0x0, s1;
	[sflag:s0] =	ssyncset.done @!p0 $0x0  }
0x4b: {  	[sflag:s0] =	ssyncadd.s32 @!p0 s1  }
0x4c: {  	[bflag:$0x3] =	sbarrier.arrive $0xFFFF  }
0x4d: {  	_ =	shalt  }

</sc_bundles>
